<compile_context>
chip_gen: v7x
topology: tpu7x:2x2x1
jax: 0.10.2.dev20260603
libtpu: 0.0.44.dev20260713+nightly
codegen_flags: <defaults>
</compile_context>

<pallas_src>
import functools

import jax
import jax.numpy as jnp
from jax import lax
from jax.experimental import pallas as pl
from jax.experimental.pallas import tpu as pltpu
from jax.experimental.pallas import tpu_sc as plsc

N_NODES = 10000
N_EDGES = 320000
CH = 128

NC = 2
NS = 16
NW = NC * NS

K = 125
CT = 2560
CHUNKS = CT // NW
PH = 40
NPAD = 10240
RPT = NPAD // NS
RBM = 2000

_mesh = plsc.VectorSubcoreMesh(core_axis_name="c", subcore_axis_name="s")


@functools.partial(
    pl.kernel,
    mesh=_mesh,
    out_type=jax.ShapeDtypeStruct((NC * NPAD,), jnp.float32),
    scratch_types=[
        pltpu.VMEM((CHUNKS, K), jnp.int32),
        pltpu.VMEM((128,), jnp.float32),
        pltpu.VMEM((RPT,), jnp.float32),
        pltpu.VMEM_SHARED((NPAD,), jnp.float32),
    ],
)
def _sc_degree(e2d_hbm, deg_hbm, idx_v, ones_v, zero_v, deg_sh):
    c = lax.axis_index("c")
    s = lax.axis_index("s")
    t = c * NS + s
    for i in range(128 // 16):
        ones_v[pl.ds(i * 16, 16)] = jnp.ones((16,), jnp.float32)

    def zbody(i, carry):
        zero_v[pl.ds(i * 16, 16)] = jnp.zeros((16,), jnp.float32)
        return carry

    lax.fori_loop(0, RPT // 16, zbody, 0)
    pltpu.sync_copy(zero_v, deg_sh.at[pl.ds(s * RPT, RPT)])
    pltpu.sync_copy(e2d_hbm.at[pl.ds(CT + t * CHUNKS, CHUNKS)], idx_v)
    plsc.subcore_barrier()

    def body(j, carry):
        pltpu.sync_copy(ones_v.at[pl.ds(0, K)], deg_sh.at[idx_v.at[j]], add=True)
        return carry

    lax.fori_loop(0, CHUNKS, body, 0)
    plsc.subcore_barrier()
    pltpu.sync_copy(deg_sh.at[pl.ds(s * RPT, RPT)],
                    deg_hbm.at[pl.ds(c * NPAD + s * RPT, RPT)])


@functools.partial(
    pl.kernel,
    mesh=_mesh,
    out_type=(jax.ShapeDtypeStruct((NPAD, CH), jnp.float32),
              jax.ShapeDtypeStruct((NPAD, CH), jnp.float32)),
    scratch_types=[
        pltpu.VMEM((PH, K), jnp.int32),
        pltpu.VMEM((PH, K), jnp.int32),
        pltpu.VMEM((128, CH), jnp.float32),
        pltpu.VMEM((128, CH), jnp.float32),
        pltpu.VMEM_SHARED((NPAD, CH), jnp.float32),
        pltpu.SemaphoreType.DMA,
        pltpu.SemaphoreType.DMA,
    ],
)
def _sc_edge_acc(y_hbm, e2d_hbm, acc0_hbm, acc1_hbm,
                 sidx, didx, rows0, rows1, acc_sh, sem0, sem1):
    c = lax.axis_index("c")
    s = lax.axis_index("s")
    t = c * NS + s

    def zbody(i, carry):
        for k in range(CH // 16):
            rows0[i, pl.ds(k * 16, 16)] = jnp.zeros((16,), jnp.float32)
        return carry

    lax.fori_loop(0, 128, zbody, 0)
    for r in range(RPT // 128):
        pltpu.sync_copy(rows0, acc_sh.at[pl.ds(s * RPT + r * 128, 128)])
    plsc.subcore_barrier()

    b0 = rows0.at[pl.ds(0, K)]
    b1 = rows1.at[pl.ds(0, K)]
    groups = PH // 2
    for ph in range(CHUNKS // PH):
        base = t * CHUNKS + ph * PH
        pltpu.sync_copy(e2d_hbm.at[pl.ds(base, PH)], sidx)
        pltpu.sync_copy(e2d_hbm.at[pl.ds(CT + base, PH)], didx)
        pltpu.make_async_copy(y_hbm.at[sidx.at[0]], b0, sem0).start()

        def body(g, carry):
            j0 = 2 * g
            pltpu.make_async_copy(y_hbm.at[sidx.at[j0 + 1]], b1, sem1).start()
            pltpu.make_async_copy(y_hbm.at[sidx.at[j0]], b0, sem0).wait()
            pltpu.sync_copy(b0, acc_sh.at[didx.at[j0]], add=True)

            @pl.when(g + 1 < groups)
            def _():
                pltpu.make_async_copy(y_hbm.at[sidx.at[j0 + 2]], b0, sem0).start()

            pltpu.make_async_copy(y_hbm.at[sidx.at[j0 + 1]], b1, sem1).wait()
            pltpu.sync_copy(b1, acc_sh.at[didx.at[j0 + 1]], add=True)
            return carry

        lax.fori_loop(0, groups, body, 0)
    plsc.subcore_barrier()

    @pl.when(c == 0)
    def _():
        pltpu.sync_copy(acc_sh.at[pl.ds(s * RPT, RPT)],
                        acc0_hbm.at[pl.ds(s * RPT, RPT)])

    @pl.when(c == 1)
    def _():
        pltpu.sync_copy(acc_sh.at[pl.ds(s * RPT, RPT)],
                        acc1_hbm.at[pl.ds(s * RPT, RPT)])


def _mm_body(x_ref, w_ref, d0_ref, d1_ref, y_ref):
    dis = lax.rsqrt(d0_ref[...] + d1_ref[...] + 1.0)
    xw = jnp.dot(x_ref[...], w_ref[...], preferred_element_type=jnp.float32)
    y_ref[...] = xw * dis


def _fin_body(a0_ref, a1_ref, y_ref, d0_ref, d1_ref, b_ref, o_ref):
    dis = lax.rsqrt(d0_ref[...] + d1_ref[...] + 1.0)
    temp = dis * (a0_ref[...] + a1_ref[...] + y_ref[...]) + b_ref[...]
    o_ref[...] = temp + jnp.where(temp >= 0, temp, 0.01 * temp)


def kernel(x, edges, W, b):
    e2d = edges.astype(jnp.int32).reshape(2 * CT, K)

    degp = _sc_degree(e2d)
    d0 = degp[:NPAD].reshape(NPAD, 1)
    d1 = degp[NPAD:].reshape(NPAD, 1)

    y = pl.pallas_call(
        _mm_body,
        grid=(N_NODES // RBM,),
        in_specs=[
            pl.BlockSpec((RBM, CH), lambda i: (i, 0)),
            pl.BlockSpec((CH, CH), lambda i: (0, 0)),
            pl.BlockSpec((RBM, 1), lambda i: (i, 0)),
            pl.BlockSpec((RBM, 1), lambda i: (i, 0)),
        ],
        out_specs=pl.BlockSpec((RBM, CH), lambda i: (i, 0)),
        out_shape=jax.ShapeDtypeStruct((N_NODES, CH), jnp.float32),
    )(x, W, d0, d1)

    acc0, acc1 = _sc_edge_acc(y, e2d)

    out = pl.pallas_call(
        _fin_body,
        grid=(N_NODES // RBM,),
        in_specs=[
            pl.BlockSpec((RBM, CH), lambda i: (i, 0)),
            pl.BlockSpec((RBM, CH), lambda i: (i, 0)),
            pl.BlockSpec((RBM, CH), lambda i: (i, 0)),
            pl.BlockSpec((RBM, 1), lambda i: (i, 0)),
            pl.BlockSpec((RBM, 1), lambda i: (i, 0)),
            pl.BlockSpec((1, CH), lambda i: (0, 0)),
        ],
        out_specs=pl.BlockSpec((RBM, CH), lambda i: (i, 0)),
        out_shape=jax.ShapeDtypeStruct((N_NODES, CH), jnp.float32),
    )(acc0, acc1, y, d0, d1, b.reshape(1, CH))

    return out

# --- scband reference (transcript-rebuilt; emitter-appended) ---
"""Pipeline reference for scband-gcn-unit-30915174596974 (READ-ONLY COPY).

The authoritative reference and input builder live on the scoring server;
editing this copy changes nothing except your own understanding.
"""

import jax, jax.numpy as jnp
import numpy as np

N_NODES = 10000
N_EDGES = 320000
CH = 128

def setup_inputs(seed: int = 0) -> dict:
    key = jax.random.key(seed)
    k1, k2, k3 = jax.random.split(key, 3)
    x = jax.random.normal(k1, (N_NODES, CH), dtype=jnp.float32)
    edges = jax.random.randint(k2, (2, N_EDGES), 0, N_NODES, dtype=jnp.int64)
    # GCNConv parameters (glorot-style init for weight, zeros for bias)
    W = jax.random.normal(k3, (CH, CH), dtype=jnp.float32) * (1.0 / np.sqrt(CH))
    b = jnp.zeros((CH,), dtype=jnp.float32)
    return {"x": x, "edges": edges, "W": W, "b": b}

def gcn_conv(x, edge_index, W, b):
    # Faithful PyG GCNConv: add self-loops, symmetric normalization, linear, aggregate
    N = x.shape[0]
    loop = jnp.arange(N, dtype=edge_index.dtype)
    src = jnp.concatenate([edge_index[0], loop])
    dst = jnp.concatenate([edge_index[1], loop])
    # linear transform first (as in PyG)
    xw = x @ W
    # degree computed on target nodes with unit edge weights (incl. self loops)
    deg = jnp.zeros((N,), dtype=xw.dtype).at[dst].add(1.0)
    deg_inv_sqrt = jnp.where(deg > 0, 1.0 / jnp.sqrt(deg), 0.0)
    norm = deg_inv_sqrt[src] * deg_inv_sqrt[dst]
    msg = xw[src] * norm[:, None]
    out = jax.ops.segment_sum(msg, dst, num_segments=N)
    return out + b

def leaky_relu(v, negative_slope=0.01):
    return jnp.where(v >= 0, v, negative_slope * v)

def reference(x, edges, W, b):
    temp = gcn_conv(x, edges, W, b)
    out = leaky_relu(temp)
    out = out + temp
    return out

if __name__ == "__main__":
    import jax
    _d = setup_inputs()
    print(jax.jit(kernel)(*tuple(_d.values())))

</pallas_src>

<mosaic_0001>
#map = affine_map<(d0, d1) -> (0, 0)>
#map1 = affine_map<(d0, d1) -> (0)>
module attributes {stable_mosaic.version = 14 : i64} {
  func.func @_sc_degree(%arg0: i32, %arg1: i32, %arg2: memref<5120x125xi32, #tpu.memory_space<hbm>>, %arg3: memref<20480xf32, #tpu.memory_space<hbm>>, %arg4: memref<80x125xi32, #tpu.memory_space<vmem>>, %arg5: memref<128xf32, #tpu.memory_space<vmem>>, %arg6: memref<640xf32, #tpu.memory_space<vmem>>, %arg7: memref<10240xf32, #tpu.memory_space<vmem_shared>>) attributes {dimension_semantics = [#tpu.dimension_semantics<core_parallel>, #tpu.dimension_semantics<subcore_parallel>], iteration_bounds = array<i64: 2, 16>, scalar_prefetch = 0 : i64, scratch_operands = 4 : i64, tpu.core_type = #tpu.core_type<sc_vector_subcore>, window_params = [{transform_indices = #map}, {transform_indices = #map1}]} {
    %mul3A = arith.constant 16 : i32
    %mul3A_0 = arith.muli %arg0, %mul3A : i32
    %add3A = arith.addi %mul3A_0, %arg1 : i32
    %broadcast_in_dim3A = arith.constant 1.000000e+00 : f32
    %broadcast_in_dim3A_1 = vector.broadcast %broadcast_in_dim3A : f32 to vector<16xf32>
    %swap3A = arith.constant 0 : index
    %swap3A_2 = tpu.vector_load %arg5[%swap3A] {strides = array<i32>} : memref<128xf32, #tpu.memory_space<vmem>>, vector<16xf32>,
    %swap3A_3 = vector.shape_cast %swap3A_2 : vector<16xf32> to vector<16xf32>
    %swap3A_4 = vector.shape_cast %broadcast_in_dim3A_1 : vector<16xf32> to vector<16xf32>
    tpu.vector_store %arg5[%swap3A], %swap3A_4 {strides = array<i32>} : memref<128xf32, #tpu.memory_space<vmem>>, vector<16xf32>,
    %broadcast_in_dim3A_5 = arith.constant 1.000000e+00 : f32
    %broadcast_in_dim3A_6 = vector.broadcast %broadcast_in_dim3A_5 : f32 to vector<16xf32>
    %swap3A_7 = arith.constant 16 : index
    %swap3A_8 = tpu.vector_load %arg5[%swap3A_7] {strides = array<i32>} : memref<128xf32, #tpu.memory_space<vmem>>, vector<16xf32>,
    %swap3A_9 = vector.shape_cast %swap3A_8 : vector<16xf32> to vector<16xf32>
    %swap3A_10 = vector.shape_cast %broadcast_in_dim3A_6 : vector<16xf32> to vector<16xf32>
    tpu.vector_store %arg5[%swap3A_7], %swap3A_10 {strides = array<i32>} : memref<128xf32, #tpu.memory_space<vmem>>, vector<16xf32>,
    %broadcast_in_dim3A_11 = arith.constant 1.000000e+00 : f32
    %broadcast_in_dim3A_12 = vector.broadcast %broadcast_in_dim3A_11 : f32 to vector<16xf32>
    %swap3A_13 = arith.constant 32 : index
    %swap3A_14 = tpu.vector_load %arg5[%swap3A_13] {strides = array<i32>} : memref<128xf32, #tpu.memory_space<vmem>>, vector<16xf32>,
    %swap3A_15 = vector.shape_cast %swap3A_14 : vector<16xf32> to vector<16xf32>
    %swap3A_16 = vector.shape_cast %broadcast_in_dim3A_12 : vector<16xf32> to vector<16xf32>
    tpu.vector_store %arg5[%swap3A_13], %swap3A_16 {strides = array<i32>} : memref<128xf32, #tpu.memory_space<vmem>>, vector<16xf32>,
    %broadcast_in_dim3A_17 = arith.constant 1.000000e+00 : f32
    %broadcast_in_dim3A_18 = vector.broadcast %broadcast_in_dim3A_17 : f32 to vector<16xf32>
    %swap3A_19 = arith.constant 48 : index
    %swap3A_20 = tpu.vector_load %arg5[%swap3A_19] {strides = array<i32>} : memref<128xf32, #tpu.memory_space<vmem>>, vector<16xf32>,
    %swap3A_21 = vector.shape_cast %swap3A_20 : vector<16xf32> to vector<16xf32>
    %swap3A_22 = vector.shape_cast %broadcast_in_dim3A_18 : vector<16xf32> to vector<16xf32>
    tpu.vector_store %arg5[%swap3A_19], %swap3A_22 {strides = array<i32>} : memref<128xf32, #tpu.memory_space<vmem>>, vector<16xf32>,
    %broadcast_in_dim3A_23 = arith.constant 1.000000e+00 : f32
    %broadcast_in_dim3A_24 = vector.broadcast %broadcast_in_dim3A_23 : f32 to vector<16xf32>
    %swap3A_25 = arith.constant 64 : index
    %swap3A_26 = tpu.vector_load %arg5[%swap3A_25] {strides = array<i32>} : memref<128xf32, #tpu.memory_space<vmem>>, vector<16xf32>,
    %swap3A_27 = vector.shape_cast %swap3A_26 : vector<16xf32> to vector<16xf32>
    %swap3A_28 = vector.shape_cast %broadcast_in_dim3A_24 : vector<16xf32> to vector<16xf32>
    tpu.vector_store %arg5[%swap3A_25], %swap3A_28 {strides = array<i32>} : memref<128xf32, #tpu.memory_space<vmem>>, vector<16xf32>,
    %broadcast_in_dim3A_29 = arith.constant 1.000000e+00 : f32
    %broadcast_in_dim3A_30 = vector.broadcast %broadcast_in_dim3A_29 : f32 to vector<16xf32>
    %swap3A_31 = arith.constant 80 : index
    %swap3A_32 = tpu.vector_load %arg5[%swap3A_31] {strides = array<i32>} : memref<128xf32, #tpu.memory_space<vmem>>, vector<16xf32>,
    %swap3A_33 = vector.shape_cast %swap3A_32 : vector<16xf32> to vector<16xf32>
    %swap3A_34 = vector.shape_cast %broadcast_in_dim3A_30 : vector<16xf32> to vector<16xf32>
    tpu.vector_store %arg5[%swap3A_31], %swap3A_34 {strides = array<i32>} : memref<128xf32, #tpu.memory_space<vmem>>, vector<16xf32>,
    %broadcast_in_dim3A_35 = arith.constant 1.000000e+00 : f32
    %broadcast_in_dim3A_36 = vector.broadcast %broadcast_in_dim3A_35 : f32 to vector<16xf32>
    %swap3A_37 = arith.constant 96 : index
    %swap3A_38 = tpu.vector_load %arg5[%swap3A_37] {strides = array<i32>} : memref<128xf32, #tpu.memory_space<vmem>>, vector<16xf32>,
    %swap3A_39 = vector.shape_cast %swap3A_38 : vector<16xf32> to vector<16xf32>
    %swap3A_40 = vector.shape_cast %broadcast_in_dim3A_36 : vector<16xf32> to vector<16xf32>
    tpu.vector_store %arg5[%swap3A_37], %swap3A_40 {strides = array<i32>} : memref<128xf32, #tpu.memory_space<vmem>>, vector<16xf32>,
    %broadcast_in_dim3A_41 = arith.constant 1.000000e+00 : f32
    %broadcast_in_dim3A_42 = vector.broadcast %broadcast_in_dim3A_41 : f32 to vector<16xf32>
    %swap3A_43 = arith.constant 112 : index
    %swap3A_44 = tpu.vector_load %arg5[%swap3A_43] {strides = array<i32>} : memref<128xf32, #tpu.memory_space<vmem>>, vector<16xf32>,
    %swap3A_45 = vector.shape_cast %swap3A_44 : vector<16xf32> to vector<16xf32>
    %swap3A_46 = vector.shape_cast %broadcast_in_dim3A_42 : vector<16xf32> to vector<16xf32>
    tpu.vector_store %arg5[%swap3A_43], %swap3A_46 {strides = array<i32>} : memref<128xf32, #tpu.memory_space<vmem>>, vector<16xf32>,
    %scan3A = arith.constant 0 : i32
    %scan3A_47 = arith.constant 0 : i32
    %scan3A_48 = arith.constant 40 : i32
    %scan3A_49 = arith.addi %scan3A_47, %scan3A_48 : i32
    %scan3A_50 = arith.constant 1 : i32
    scf.for %scan3A_72 = %scan3A_47 to %scan3A_49 step %scan3A_50  : i32 {
      %broadcast_in_dim3A_73 = arith.constant 0.000000e+00 : f32
      %broadcast_in_dim3A_74 = vector.broadcast %broadcast_in_dim3A_73 : f32 to vector<16xf32>
      %mul3A_75 = arith.constant 16 : i32
      %mul3A_76 = arith.muli %scan3A_72, %mul3A_75 : i32
      %swap3A_77 = arith.index_cast %mul3A_76 : i32 to index
      %swap3A_78 = tpu.vector_load %arg6[%swap3A_77] {strides = array<i32>} : memref<640xf32, #tpu.memory_space<vmem>>, vector<16xf32>,
      %swap3A_79 = vector.shape_cast %swap3A_78 : vector<16xf32> to vector<16xf32>
      %swap3A_80 = vector.shape_cast %broadcast_in_dim3A_74 : vector<16xf32> to vector<16xf32>
      tpu.vector_store %arg6[%swap3A_77], %swap3A_80 {strides = array<i32>} : memref<640xf32, #tpu.memory_space<vmem>>, vector<16xf32>,
    }
    %scan3A_51 = arith.constant 40 : i32
    %mul3A_52 = arith.constant 640 : i32
    %mul3A_53 = arith.muli %arg1, %mul3A_52 : i32
    "tpu.region"() ({
      %run_scoped3A = tpu.sem_alloc : memref<!tpu.dma_semaphore, #tpu.memory_space<semaphore_mem>>
      %dma_start3A = tpu.memref_slice %arg7[%mul3A_53] : memref<10240xf32, #tpu.memory_space<vmem_shared>> -> memref<640xf32, #tpu.memory_space<vmem_shared>>
      %dma_start3A_72 = tpu.memref_slice %arg7[%mul3A_53] : memref<10240xf32, #tpu.memory_space<vmem_shared>> -> memref<640xf32, #tpu.memory_space<vmem_shared>>
      tpu.enqueue_dma source(%arg6 : memref<640xf32, #tpu.memory_space<vmem>>) target(%dma_start3A_72 : memref<640xf32, #tpu.memory_space<vmem_shared>>) target_semaphore(%run_scoped3A : memref<!tpu.dma_semaphore, #tpu.memory_space<semaphore_mem>>)
      %dma_wait3A = tpu.memref_slice %arg7[%mul3A_53] : memref<10240xf32, #tpu.memory_space<vmem_shared>> -> memref<640xf32, #tpu.memory_space<vmem_shared>>
      %dma_wait3A_73 = tpu.memref_slice %arg7[%mul3A_53] : memref<10240xf32, #tpu.memory_space<vmem_shared>> -> memref<640xf32, #tpu.memory_space<vmem_shared>>
      tpu.wait_dma2 semaphore(%run_scoped3A : memref<!tpu.dma_semaphore, #tpu.memory_space<semaphore_mem>>) src(%arg6 : memref<640xf32, #tpu.memory_space<vmem>>) dst(%dma_wait3A_73 : memref<640xf32, #tpu.memory_space<vmem_shared>>)
      tpu.yield
    }) : () -> ()
    %mul3A_54 = arith.constant 80 : i32
    %mul3A_55 = arith.muli %add3A, %mul3A_54 : i32
    %add3A_56 = arith.constant 2560 : i32
    %add3A_57 = arith.addi %add3A_56, %mul3A_55 : i32
    "tpu.region"() ({
      %run_scoped3A = tpu.sem_alloc : memref<!tpu.dma_semaphore, #tpu.memory_space<semaphore_mem>>
      %dma_start3A = arith.constant 0 : i32
      %dma_start3A_72 = tpu.memref_slice %arg2[%add3A_57, %dma_start3A] : memref<5120x125xi32, #tpu.memory_space<hbm>> -> memref<80x125xi32, #tpu.memory_space<hbm>>
      %dma_start3A_73 = arith.constant 0 : i32
      %dma_start3A_74 = tpu.memref_slice %arg2[%add3A_57, %dma_start3A_73] : memref<5120x125xi32, #tpu.memory_space<hbm>> -> memref<80x125xi32, #tpu.memory_space<hbm>>
      tpu.enqueue_dma source(%dma_start3A_74 : memref<80x125xi32, #tpu.memory_space<hbm>>) target(%arg4 : memref<80x125xi32, #tpu.memory_space<vmem>>) target_semaphore(%run_scoped3A : memref<!tpu.dma_semaphore, #tpu.memory_space<semaphore_mem>>)
      %dma_wait3A = arith.constant 0 : i32
      %dma_wait3A_75 = tpu.memref_slice %arg2[%add3A_57, %dma_wait3A] : memref<5120x125xi32, #tpu.memory_space<hbm>> -> memref<80x125xi32, #tpu.memory_space<hbm>>
      %dma_wait3A_76 = arith.constant 0 : i32
      %dma_wait3A_77 = tpu.memref_slice %arg2[%add3A_57, %dma_wait3A_76] : memref<5120x125xi32, #tpu.memory_space<hbm>> -> memref<80x125xi32, #tpu.memory_space<hbm>>
      tpu.wait_dma2 semaphore(%run_scoped3A : memref<!tpu.dma_semaphore, #tpu.memory_space<semaphore_mem>>) src(%dma_wait3A_77 : memref<80x125xi32, #tpu.memory_space<hbm>>) dst(%arg4 : memref<80x125xi32, #tpu.memory_space<vmem>>)
      tpu.yield
    }) : () -> ()
    %barrier3A = arith.constant 0 : index
    tpu.barrier barrier_id(%barrier3A)
    %scan3A_58 = arith.constant 0 : i32
    %scan3A_59 = arith.constant 0 : i32
    %scan3A_60 = arith.constant 80 : i32
    %scan3A_61 = arith.addi %scan3A_59, %scan3A_60 : i32
    %scan3A_62 = arith.constant 1 : i32
    scf.for %scan3A_72 = %scan3A_59 to %scan3A_61 step %scan3A_62  : i32 {
      "tpu.region"() ({
        %run_scoped3A = tpu.sem_alloc : memref<!tpu.dma_semaphore, #tpu.memory_space<semaphore_mem>>
        %dma_start3A = arith.constant 0 : i32
        %dma_start3A_73 = tpu.memref_slice %arg5[%dma_start3A] : memref<128xf32, #tpu.memory_space<vmem>> -> memref<125xf32, #tpu.memory_space<vmem>>
        %dma_start3A_74 = arith.constant 0 : i32
        %dma_start3A_75 = tpu.memref_slice %arg4[%scan3A_72, %dma_start3A_74] : memref<80x125xi32, #tpu.memory_space<vmem>> -> memref<1x125xi32, #tpu.memory_space<vmem>>
        %dma_start3A_76 = tpu.memref_squeeze %dma_start3A_75 : memref<1x125xi32, #tpu.memory_space<vmem>> -> memref<125xi32, #tpu.memory_space<vmem>>
        %dma_start3A_77 = arith.constant 0 : i32
        %dma_start3A_78 = tpu.memref_slice %arg7[%dma_start3A_77] : memref<10240xf32, #tpu.memory_space<vmem_shared>> -> memref<10240xf32, #tpu.memory_space<vmem_shared>>
        tpu.enqueue_indirect_dma source(%dma_start3A_73 : memref<125xf32, #tpu.memory_space<vmem>>) target(%dma_start3A_78 : memref<10240xf32, #tpu.memory_space<vmem_shared>>) offsets(%dma_start3A_76 : memref<125xi32, #tpu.memory_space<vmem>>) semaphore(%run_scoped3A : memref<!tpu.dma_semaphore, #tpu.memory_space<semaphore_mem>>) {add = true}
        %dma_wait3A = arith.constant 0 : i32
        %dma_wait3A_79 = tpu.memref_slice %arg5[%dma_wait3A] : memref<128xf32, #tpu.memory_space<vmem>> -> memref<125xf32, #tpu.memory_space<vmem>>
        %dma_wait3A_80 = arith.constant 0 : i32
        %dma_wait3A_81 = tpu.memref_slice %arg4[%scan3A_72, %dma_wait3A_80] : memref<80x125xi32, #tpu.memory_space<vmem>> -> memref<1x125xi32, #tpu.memory_space<vmem>>
        %dma_wait3A_82 = tpu.memref_squeeze %dma_wait3A_81 : memref<1x125xi32, #tpu.memory_space<vmem>> -> memref<125xi32, #tpu.memory_space<vmem>>
        %dma_wait3A_83 = arith.constant 0 : i32
        %dma_wait3A_84 = tpu.memref_slice %arg7[%dma_wait3A_83] : memref<10240xf32, #tpu.memory_space<vmem_shared>> -> memref<10240xf32, #tpu.memory_space<vmem_shared>>
        tpu.wait_indirect_dma semaphore(%run_scoped3A : memref<!tpu.dma_semaphore, #tpu.memory_space<semaphore_mem>>) src(%dma_wait3A_79 : memref<125xf32, #tpu.memory_space<vmem>>) dst(%dma_wait3A_84 : memref<10240xf32, #tpu.memory_space<vmem_shared>>)
        tpu.yield
      }) : () -> ()
    }
    %scan3A_63 = arith.constant 80 : i32
    %barrier3A_64 = arith.constant 0 : index
    tpu.barrier barrier_id(%barrier3A_64)
    %mul3A_65 = arith.constant 640 : i32
    %mul3A_66 = arith.muli %arg1, %mul3A_65 : i32
    %mul3A_67 = arith.constant 10240 : i32
    %mul3A_68 = arith.muli %arg0, %mul3A_67 : i32
    %mul3A_69 = arith.constant 640 : i32
    %mul3A_70 = arith.muli %arg1, %mul3A_69 : i32
    %add3A_71 = arith.addi %mul3A_68, %mul3A_70 : i32
    "tpu.region"() ({
      %run_scoped3A = tpu.sem_alloc : memref<!tpu.dma_semaphore, #tpu.memory_space<semaphore_mem>>
      %dma_start3A = tpu.memref_slice %arg3[%add3A_71] : memref<20480xf32, #tpu.memory_space<hbm>> -> memref<640xf32, #tpu.memory_space<hbm>>
      %dma_start3A_72 = tpu.memref_slice %arg7[%mul3A_66] : memref<10240xf32, #tpu.memory_space<vmem_shared>> -> memref<640xf32, #tpu.memory_space<vmem_shared>>
      tpu.enqueue_dma source(%dma_start3A_72 : memref<640xf32, #tpu.memory_space<vmem_shared>>) target(%dma_start3A : memref<640xf32, #tpu.memory_space<hbm>>) target_semaphore(%run_scoped3A : memref<!tpu.dma_semaphore, #tpu.memory_space<semaphore_mem>>)
      %dma_wait3A = tpu.memref_slice %arg3[%add3A_71] : memref<20480xf32, #tpu.memory_space<hbm>> -> memref<640xf32, #tpu.memory_space<hbm>>
      %dma_wait3A_73 = tpu.memref_slice %arg7[%mul3A_66] : memref<10240xf32, #tpu.memory_space<vmem_shared>> -> memref<640xf32, #tpu.memory_space<vmem_shared>>
      tpu.wait_dma2 semaphore(%run_scoped3A : memref<!tpu.dma_semaphore, #tpu.memory_space<semaphore_mem>>) src(%dma_wait3A_73 : memref<640xf32, #tpu.memory_space<vmem_shared>>) dst(%dma_wait3A : memref<640xf32, #tpu.memory_space<hbm>>)
      tpu.yield
    }) : () -> ()
    return
  }
}

#map = affine_map<(d0, d1) -> (0, 0)>
module attributes {stable_mosaic.version = 14 : i64} {
  func.func @_sc_edge_acc(%arg0: i32, %arg1: i32, %arg2: memref<10000x128xf32, #tpu.memory_space<hbm>>, %arg3: memref<5120x125xi32, #tpu.memory_space<hbm>>, %arg4: memref<10240x128xf32, #tpu.memory_space<hbm>>, %arg5: memref<10240x128xf32, #tpu.memory_space<hbm>>, %arg6: memref<40x125xi32, #tpu.memory_space<vmem>>, %arg7: memref<40x125xi32, #tpu.memory_space<vmem>>, %arg8: memref<128x128xf32, #tpu.memory_space<vmem>>, %arg9: memref<128x128xf32, #tpu.memory_space<vmem>>, %arg10: memref<10240x128xf32, #tpu.memory_space<vmem_shared>>, %arg11: memref<!tpu.dma_semaphore, #tpu.memory_space<semaphore_mem>>, %arg12: memref<!tpu.dma_semaphore, #tpu.memory_space<semaphore_mem>>) attributes {dimension_semantics = [#tpu.dimension_semantics<core_parallel>, #tpu.dimension_semantics<subcore_parallel>], iteration_bounds = array<i64: 2, 16>, scalar_prefetch = 0 : i64, scratch_operands = 7 : i64, tpu.core_type = #tpu.core_type<sc_vector_subcore>, window_params = [{transform_indices = #map}, {transform_indices = #map}, {transform_indices = #map}, {transform_indices = #map}]} {
    %mul3A = arith.constant 16 : i32
    %mul3A_0 = arith.muli %arg0, %mul3A : i32
    %add3A = arith.addi %mul3A_0, %arg1 : i32
    %scan3A = arith.constant 0 : i32
    %scan3A_1 = arith.constant 0 : i32
    %scan3A_2 = arith.constant 128 : i32
    %scan3A_3 = arith.addi %scan3A_1, %scan3A_2 : i32
    %scan3A_4 = arith.constant 1 : i32
    scf.for %scan3A_77 = %scan3A_1 to %scan3A_3 step %scan3A_4  : i32 {
      %broadcast_in_dim3A = arith.constant 0.000000e+00 : f32
      %broadcast_in_dim3A_78 = vector.broadcast %broadcast_in_dim3A : f32 to vector<16xf32>
      %swap3A = arith.index_cast %scan3A_77 : i32 to index
      %swap3A_79 = arith.constant 0 : index
      %swap3A_80 = tpu.vector_load %arg8[%swap3A, %swap3A_79] {strides = array<i32>} : memref<128x128xf32, #tpu.memory_space<vmem>>, vector<1x16xf32>,
      %swap3A_81 = vector.shape_cast %swap3A_80 : vector<1x16xf32> to vector<16xf32>
      %swap3A_82 = vector.shape_cast %broadcast_in_dim3A_78 : vector<16xf32> to vector<1x16xf32>
      tpu.vector_store %arg8[%swap3A, %swap3A_79], %swap3A_82 {strides = array<i32>} : memref<128x128xf32, #tpu.memory_space<vmem>>, vector<1x16xf32>,
      %broadcast_in_dim3A_83 = arith.constant 0.000000e+00 : f32
      %broadcast_in_dim3A_84 = vector.broadcast %broadcast_in_dim3A_83 : f32 to vector<16xf32>
      %swap3A_85 = arith.index_cast %scan3A_77 : i32 to index
      %swap3A_86 = arith.constant 16 : index
      %swap3A_87 = tpu.vector_load %arg8[%swap3A_85, %swap3A_86] {strides = array<i32>} : memref<128x128xf32, #tpu.memory_space<vmem>>, vector<1x16xf32>,
      %swap3A_88 = vector.shape_cast %swap3A_87 : vector<1x16xf32> to vector<16xf32>
      %swap3A_89 = vector.shape_cast %broadcast_in_dim3A_84 : vector<16xf32> to vector<1x16xf32>
      tpu.vector_store %arg8[%swap3A_85, %swap3A_86], %swap3A_89 {strides = array<i32>} : memref<128x128xf32, #tpu.memory_space<vmem>>, vector<1x16xf32>,
      %broadcast_in_dim3A_90 = arith.constant 0.000000e+00 : f32
      %broadcast_in_dim3A_91 = vector.broadcast %broadcast_in_dim3A_90 : f32 to vector<16xf32>
      %swap3A_92 = arith.index_cast %scan3A_77 : i32 to index
      %swap3A_93 = arith.constant 32 : index
      %swap3A_94 = tpu.vector_load %arg8[%swap3A_92, %swap3A_93] {strides = array<i32>} : memref<128x128xf32, #tpu.memory_space<vmem>>, vector<1x16xf32>,
      %swap3A_95 = vector.shape_cast %swap3A_94 : vector<1x16xf32> to vector<16xf32>
      %swap3A_96 = vector.shape_cast %broadcast_in_dim3A_91 : vector<16xf32> to vector<1x16xf32>
      tpu.vector_store %arg8[%swap3A_92, %swap3A_93], %swap3A_96 {strides = array<i32>} : memref<128x128xf32, #tpu.memory_space<vmem>>, vector<1x16xf32>,
      %broadcast_in_dim3A_97 = arith.constant 0.000000e+00 : f32
      %broadcast_in_dim3A_98 = vector.broadcast %broadcast_in_dim3A_97 : f32 to vector<16xf32>
      %swap3A_99 = arith.index_cast %scan3A_77 : i32 to index
      %swap3A_100 = arith.constant 48 : index
      %swap3A_101 = tpu.vector_load %arg8[%swap3A_99, %swap3A_100] {strides = array<i32>} : memref<128x128xf32, #tpu.memory_space<vmem>>, vector<1x16xf32>,
      %swap3A_102 = vector.shape_cast %swap3A_101 : vector<1x16xf32> to vector<16xf32>
      %swap3A_103 = vector.shape_cast %broadcast_in_dim3A_98 : vector<16xf32> to vector<1x16xf32>
      tpu.vector_store %arg8[%swap3A_99, %swap3A_100], %swap3A_103 {strides = array<i32>} : memref<128x128xf32, #tpu.memory_space<vmem>>, vector<1x16xf32>,
      %broadcast_in_dim3A_104 = arith.constant 0.000000e+00 : f32
      %broadcast_in_dim3A_105 = vector.broadcast %broadcast_in_dim3A_104 : f32 to vector<16xf32>
      %swap3A_106 = arith.index_cast %scan3A_77 : i32 to index
      %swap3A_107 = arith.constant 64 : index
      %swap3A_108 = tpu.vector_load %arg8[%swap3A_106, %swap3A_107] {strides = array<i32>} : memref<128x128xf32, #tpu.memory_space<vmem>>, vector<1x16xf32>,
      %swap3A_109 = vector.shape_cast %swap3A_108 : vector<1x16xf32> to vector<16xf32>
      %swap3A_110 = vector.shape_cast %broadcast_in_dim3A_105 : vector<16xf32> to vector<1x16xf32>
      tpu.vector_store %arg8[%swap3A_106, %swap3A_107], %swap3A_110 {strides = array<i32>} : memref<128x128xf32, #tpu.memory_space<vmem>>, vector<1x16xf32>,
      %broadcast_in_dim3A_111 = arith.constant 0.000000e+00 : f32
      %broadcast_in_dim3A_112 = vector.broadcast %broadcast_in_dim3A_111 : f32 to vector<16xf32>
      %swap3A_113 = arith.index_cast %scan3A_77 : i32 to index
      %swap3A_114 = arith.constant 80 : index
      %swap3A_115 = tpu.vector_load %arg8[%swap3A_113, %swap3A_114] {strides = array<i32>} : memref<128x128xf32, #tpu.memory_space<vmem>>, vector<1x16xf32>,
      %swap3A_116 = vector.shape_cast %swap3A_115 : vector<1x16xf32> to vector<16xf32>
      %swap3A_117 = vector.shape_cast %broadcast_in_dim3A_112 : vector<16xf32> to vector<1x16xf32>
      tpu.vector_store %arg8[%swap3A_113, %swap3A_114], %swap3A_117 {strides = array<i32>} : memref<128x128xf32, #tpu.memory_space<vmem>>, vector<1x16xf32>,
      %broadcast_in_dim3A_118 = arith.constant 0.000000e+00 : f32
      %broadcast_in_dim3A_119 = vector.broadcast %broadcast_in_dim3A_118 : f32 to vector<16xf32>
      %swap3A_120 = arith.index_cast %scan3A_77 : i32 to index
      %swap3A_121 = arith.constant 96 : index
      %swap3A_122 = tpu.vector_load %arg8[%swap3A_120, %swap3A_121] {strides = array<i32>} : memref<128x128xf32, #tpu.memory_space<vmem>>, vector<1x16xf32>,
      %swap3A_123 = vector.shape_cast %swap3A_122 : vector<1x16xf32> to vector<16xf32>
      %swap3A_124 = vector.shape_cast %broadcast_in_dim3A_119 : vector<16xf32> to vector<1x16xf32>
      tpu.vector_store %arg8[%swap3A_120, %swap3A_121], %swap3A_124 {strides = array<i32>} : memref<128x128xf32, #tpu.memory_space<vmem>>, vector<1x16xf32>,
      %broadcast_in_dim3A_125 = arith.constant 0.000000e+00 : f32
      %broadcast_in_dim3A_126 = vector.broadcast %broadcast_in_dim3A_125 : f32 to vector<16xf32>
      %swap3A_127 = arith.index_cast %scan3A_77 : i32 to index
      %swap3A_128 = arith.constant 112 : index
      %swap3A_129 = tpu.vector_load %arg8[%swap3A_127, %swap3A_128] {strides = array<i32>} : memref<128x128xf32, #tpu.memory_space<vmem>>, vector<1x16xf32>,
      %swap3A_130 = vector.shape_cast %swap3A_129 : vector<1x16xf32> to vector<16xf32>
      %swap3A_131 = vector.shape_cast %broadcast_in_dim3A_126 : vector<16xf32> to vector<1x16xf32>
      tpu.vector_store %arg8[%swap3A_127, %swap3A_128], %swap3A_131 {strides = array<i32>} : memref<128x128xf32, #tpu.memory_space<vmem>>, vector<1x16xf32>,
    }
    %scan3A_5 = arith.constant 128 : i32
    %mul3A_6 = arith.constant 640 : i32
    %mul3A_7 = arith.muli %arg1, %mul3A_6 : i32
    %add3A_8 = arith.constant 0 : i32
    %add3A_9 = arith.addi %mul3A_7, %add3A_8 : i32
    "tpu.region"() ({
      %run_scoped3A = tpu.sem_alloc : memref<!tpu.dma_semaphore, #tpu.memory_space<semaphore_mem>>
      %dma_start3A_77 = arith.constant 0 : i32
      %dma_start3A_78 = tpu.memref_slice %arg10[%add3A_9, %dma_start3A_77] : memref<10240x128xf32, #tpu.memory_space<vmem_shared>> -> memref<128x128xf32, #tpu.memory_space<vmem_shared>>
      %dma_start3A_79 = arith.constant 0 : i32
      %dma_start3A_80 = tpu.memref_slice %arg10[%add3A_9, %dma_start3A_79] : memref<10240x128xf32, #tpu.memory_space<vmem_shared>> -> memref<128x128xf32, #tpu.memory_space<vmem_shared>>
      tpu.enqueue_dma source(%arg8 : memref<128x128xf32, #tpu.memory_space<vmem>>) target(%dma_start3A_80 : memref<128x128xf32, #tpu.memory_space<vmem_shared>>) target_semaphore(%run_scoped3A : memref<!tpu.dma_semaphore, #tpu.memory_space<semaphore_mem>>)
      %dma_wait3A = arith.constant 0 : i32
      %dma_wait3A_81 = tpu.memref_slice %arg10[%add3A_9, %dma_wait3A] : memref<10240x128xf32, #tpu.memory_space<vmem_shared>> -> memref<128x128xf32, #tpu.memory_space<vmem_shared>>
      %dma_wait3A_82 = arith.constant 0 : i32
      %dma_wait3A_83 = tpu.memref_slice %arg10[%add3A_9, %dma_wait3A_82] : memref<10240x128xf32, #tpu.memory_space<vmem_shared>> -> memref<128x128xf32, #tpu.memory_space<vmem_shared>>
      tpu.wait_dma2 semaphore(%run_scoped3A : memref<!tpu.dma_semaphore, #tpu.memory_space<semaphore_mem>>) src(%arg8 : memref<128x128xf32, #tpu.memory_space<vmem>>) dst(%dma_wait3A_83 : memref<128x128xf32, #tpu.memory_space<vmem_shared>>)
      tpu.yield
    }) : () -> ()
    %mul3A_10 = arith.constant 640 : i32
    %mul3A_11 = arith.muli %arg1, %mul3A_10 : i32
    %add3A_12 = arith.constant 128 : i32
    %add3A_13 = arith.addi %mul3A_11, %add3A_12 : i32
    "tpu.region"() ({
      %run_scoped3A = tpu.sem_alloc : memref<!tpu.dma_semaphore, #tpu.memory_space<semaphore_mem>>
      %dma_start3A_77 = arith.constant 0 : i32
      %dma_start3A_78 = tpu.memref_slice %arg10[%add3A_13, %dma_start3A_77] : memref<10240x128xf32, #tpu.memory_space<vmem_shared>> -> memref<128x128xf32, #tpu.memory_space<vmem_shared>>
      %dma_start3A_79 = arith.constant 0 : i32
      %dma_start3A_80 = tpu.memref_slice %arg10[%add3A_13, %dma_start3A_79] : memref<10240x128xf32, #tpu.memory_space<vmem_shared>> -> memref<128x128xf32, #tpu.memory_space<vmem_shared>>
      tpu.enqueue_dma source(%arg8 : memref<128x128xf32, #tpu.memory_space<vmem>>) target(%dma_start3A_80 : memref<128x128xf32, #tpu.memory_space<vmem_shared>>) target_semaphore(%run_scoped3A : memref<!tpu.dma_semaphore, #tpu.memory_space<semaphore_mem>>)
      %dma_wait3A = arith.constant 0 : i32
      %dma_wait3A_81 = tpu.memref_slice %arg10[%add3A_13, %dma_wait3A] : memref<10240x128xf32, #tpu.memory_space<vmem_shared>> -> memref<128x128xf32, #tpu.memory_space<vmem_shared>>
      %dma_wait3A_82 = arith.constant 0 : i32
      %dma_wait3A_83 = tpu.memref_slice %arg10[%add3A_13, %dma_wait3A_82] : memref<10240x128xf32, #tpu.memory_space<vmem_shared>> -> memref<128x128xf32, #tpu.memory_space<vmem_shared>>
      tpu.wait_dma2 semaphore(%run_scoped3A : memref<!tpu.dma_semaphore, #tpu.memory_space<semaphore_mem>>) src(%arg8 : memref<128x128xf32, #tpu.memory_space<vmem>>) dst(%dma_wait3A_83 : memref<128x128xf32, #tpu.memory_space<vmem_shared>>)
      tpu.yield
    }) : () -> ()
    %mul3A_14 = arith.constant 640 : i32
    %mul3A_15 = arith.muli %arg1, %mul3A_14 : i32
    %add3A_16 = arith.constant 256 : i32
    %add3A_17 = arith.addi %mul3A_15, %add3A_16 : i32
    "tpu.region"() ({
      %run_scoped3A = tpu.sem_alloc : memref<!tpu.dma_semaphore, #tpu.memory_space<semaphore_mem>>
      %dma_start3A_77 = arith.constant 0 : i32
      %dma_start3A_78 = tpu.memref_slice %arg10[%add3A_17, %dma_start3A_77] : memref<10240x128xf32, #tpu.memory_space<vmem_shared>> -> memref<128x128xf32, #tpu.memory_space<vmem_shared>>
      %dma_start3A_79 = arith.constant 0 : i32
      %dma_start3A_80 = tpu.memref_slice %arg10[%add3A_17, %dma_start3A_79] : memref<10240x128xf32, #tpu.memory_space<vmem_shared>> -> memref<128x128xf32, #tpu.memory_space<vmem_shared>>
      tpu.enqueue_dma source(%arg8 : memref<128x128xf32, #tpu.memory_space<vmem>>) target(%dma_start3A_80 : memref<128x128xf32, #tpu.memory_space<vmem_shared>>) target_semaphore(%run_scoped3A : memref<!tpu.dma_semaphore, #tpu.memory_space<semaphore_mem>>)
      %dma_wait3A = arith.constant 0 : i32
      %dma_wait3A_81 = tpu.memref_slice %arg10[%add3A_17, %dma_wait3A] : memref<10240x128xf32, #tpu.memory_space<vmem_shared>> -> memref<128x128xf32, #tpu.memory_space<vmem_shared>>
      %dma_wait3A_82 = arith.constant 0 : i32
      %dma_wait3A_83 = tpu.memref_slice %arg10[%add3A_17, %dma_wait3A_82] : memref<10240x128xf32, #tpu.memory_space<vmem_shared>> -> memref<128x128xf32, #tpu.memory_space<vmem_shared>>
      tpu.wait_dma2 semaphore(%run_scoped3A : memref<!tpu.dma_semaphore, #tpu.memory_space<semaphore_mem>>) src(%arg8 : memref<128x128xf32, #tpu.memory_space<vmem>>) dst(%dma_wait3A_83 : memref<128x128xf32, #tpu.memory_space<vmem_shared>>)
      tpu.yield
    }) : () -> ()
    %mul3A_18 = arith.constant 640 : i32
    %mul3A_19 = arith.muli %arg1, %mul3A_18 : i32
    %add3A_20 = arith.constant 384 : i32
    %add3A_21 = arith.addi %mul3A_19, %add3A_20 : i32
    "tpu.region"() ({
      %run_scoped3A = tpu.sem_alloc : memref<!tpu.dma_semaphore, #tpu.memory_space<semaphore_mem>>
      %dma_start3A_77 = arith.constant 0 : i32
      %dma_start3A_78 = tpu.memref_slice %arg10[%add3A_21, %dma_start3A_77] : memref<10240x128xf32, #tpu.memory_space<vmem_shared>> -> memref<128x128xf32, #tpu.memory_space<vmem_shared>>
      %dma_start3A_79 = arith.constant 0 : i32
      %dma_start3A_80 = tpu.memref_slice %arg10[%add3A_21, %dma_start3A_79] : memref<10240x128xf32, #tpu.memory_space<vmem_shared>> -> memref<128x128xf32, #tpu.memory_space<vmem_shared>>
      tpu.enqueue_dma source(%arg8 : memref<128x128xf32, #tpu.memory_space<vmem>>) target(%dma_start3A_80 : memref<128x128xf32, #tpu.memory_space<vmem_shared>>) target_semaphore(%run_scoped3A : memref<!tpu.dma_semaphore, #tpu.memory_space<semaphore_mem>>)
      %dma_wait3A = arith.constant 0 : i32
      %dma_wait3A_81 = tpu.memref_slice %arg10[%add3A_21, %dma_wait3A] : memref<10240x128xf32, #tpu.memory_space<vmem_shared>> -> memref<128x128xf32, #tpu.memory_space<vmem_shared>>
      %dma_wait3A_82 = arith.constant 0 : i32
      %dma_wait3A_83 = tpu.memref_slice %arg10[%add3A_21, %dma_wait3A_82] : memref<10240x128xf32, #tpu.memory_space<vmem_shared>> -> memref<128x128xf32, #tpu.memory_space<vmem_shared>>
      tpu.wait_dma2 semaphore(%run_scoped3A : memref<!tpu.dma_semaphore, #tpu.memory_space<semaphore_mem>>) src(%arg8 : memref<128x128xf32, #tpu.memory_space<vmem>>) dst(%dma_wait3A_83 : memref<128x128xf32, #tpu.memory_space<vmem_shared>>)
      tpu.yield
    }) : () -> ()
    %mul3A_22 = arith.constant 640 : i32
    %mul3A_23 = arith.muli %arg1, %mul3A_22 : i32
    %add3A_24 = arith.constant 512 : i32
    %add3A_25 = arith.addi %mul3A_23, %add3A_24 : i32
    "tpu.region"() ({
      %run_scoped3A = tpu.sem_alloc : memref<!tpu.dma_semaphore, #tpu.memory_space<semaphore_mem>>
      %dma_start3A_77 = arith.constant 0 : i32
      %dma_start3A_78 = tpu.memref_slice %arg10[%add3A_25, %dma_start3A_77] : memref<10240x128xf32, #tpu.memory_space<vmem_shared>> -> memref<128x128xf32, #tpu.memory_space<vmem_shared>>
      %dma_start3A_79 = arith.constant 0 : i32
      %dma_start3A_80 = tpu.memref_slice %arg10[%add3A_25, %dma_start3A_79] : memref<10240x128xf32, #tpu.memory_space<vmem_shared>> -> memref<128x128xf32, #tpu.memory_space<vmem_shared>>
      tpu.enqueue_dma source(%arg8 : memref<128x128xf32, #tpu.memory_space<vmem>>) target(%dma_start3A_80 : memref<128x128xf32, #tpu.memory_space<vmem_shared>>) target_semaphore(%run_scoped3A : memref<!tpu.dma_semaphore, #tpu.memory_space<semaphore_mem>>)
      %dma_wait3A = arith.constant 0 : i32
      %dma_wait3A_81 = tpu.memref_slice %arg10[%add3A_25, %dma_wait3A] : memref<10240x128xf32, #tpu.memory_space<vmem_shared>> -> memref<128x128xf32, #tpu.memory_space<vmem_shared>>
      %dma_wait3A_82 = arith.constant 0 : i32
      %dma_wait3A_83 = tpu.memref_slice %arg10[%add3A_25, %dma_wait3A_82] : memref<10240x128xf32, #tpu.memory_space<vmem_shared>> -> memref<128x128xf32, #tpu.memory_space<vmem_shared>>
      tpu.wait_dma2 semaphore(%run_scoped3A : memref<!tpu.dma_semaphore, #tpu.memory_space<semaphore_mem>>) src(%arg8 : memref<128x128xf32, #tpu.memory_space<vmem>>) dst(%dma_wait3A_83 : memref<128x128xf32, #tpu.memory_space<vmem_shared>>)
      tpu.yield
    }) : () -> ()
    %barrier3A = arith.constant 0 : index
    tpu.barrier barrier_id(%barrier3A)
    %mul3A_26 = arith.constant 80 : i32
    %mul3A_27 = arith.muli %add3A, %mul3A_26 : i32
    %add3A_28 = arith.constant 0 : i32
    %add3A_29 = arith.addi %mul3A_27, %add3A_28 : i32
    "tpu.region"() ({
      %run_scoped3A = tpu.sem_alloc : memref<!tpu.dma_semaphore, #tpu.memory_space<semaphore_mem>>
      %dma_start3A_77 = arith.constant 0 : i32
      %dma_start3A_78 = tpu.memref_slice %arg3[%add3A_29, %dma_start3A_77] : memref<5120x125xi32, #tpu.memory_space<hbm>> -> memref<40x125xi32, #tpu.memory_space<hbm>>
      %dma_start3A_79 = arith.constant 0 : i32
      %dma_start3A_80 = tpu.memref_slice %arg3[%add3A_29, %dma_start3A_79] : memref<5120x125xi32, #tpu.memory_space<hbm>> -> memref<40x125xi32, #tpu.memory_space<hbm>>
      tpu.enqueue_dma source(%dma_start3A_80 : memref<40x125xi32, #tpu.memory_space<hbm>>) target(%arg6 : memref<40x125xi32, #tpu.memory_space<vmem>>) target_semaphore(%run_scoped3A : memref<!tpu.dma_semaphore, #tpu.memory_space<semaphore_mem>>)
      %dma_wait3A = arith.constant 0 : i32
      %dma_wait3A_81 = tpu.memref_slice %arg3[%add3A_29, %dma_wait3A] : memref<5120x125xi32, #tpu.memory_space<hbm>> -> memref<40x125xi32, #tpu.memory_space<hbm>>
      %dma_wait3A_82 = arith.constant 0 : i32
      %dma_wait3A_83 = tpu.memref_slice %arg3[%add3A_29, %dma_wait3A_82] : memref<5120x125xi32, #tpu.memory_space<hbm>> -> memref<40x125xi32, #tpu.memory_space<hbm>>
      tpu.wait_dma2 semaphore(%run_scoped3A : memref<!tpu.dma_semaphore, #tpu.memory_space<semaphore_mem>>) src(%dma_wait3A_83 : memref<40x125xi32, #tpu.memory_space<hbm>>) dst(%arg6 : memref<40x125xi32, #tpu.memory_space<vmem>>)
      tpu.yield
    }) : () -> ()
    %add3A_30 = arith.constant 2560 : i32
    %add3A_31 = arith.addi %add3A_30, %add3A_29 : i32
    "tpu.region"() ({
      %run_scoped3A = tpu.sem_alloc : memref<!tpu.dma_semaphore, #tpu.memory_space<semaphore_mem>>
      %dma_start3A_77 = arith.constant 0 : i32
      %dma_start3A_78 = tpu.memref_slice %arg3[%add3A_31, %dma_start3A_77] : memref<5120x125xi32, #tpu.memory_space<hbm>> -> memref<40x125xi32, #tpu.memory_space<hbm>>
      %dma_start3A_79 = arith.constant 0 : i32
      %dma_start3A_80 = tpu.memref_slice %arg3[%add3A_31, %dma_start3A_79] : memref<5120x125xi32, #tpu.memory_space<hbm>> -> memref<40x125xi32, #tpu.memory_space<hbm>>
      tpu.enqueue_dma source(%dma_start3A_80 : memref<40x125xi32, #tpu.memory_space<hbm>>) target(%arg7 : memref<40x125xi32, #tpu.memory_space<vmem>>) target_semaphore(%run_scoped3A : memref<!tpu.dma_semaphore, #tpu.memory_space<semaphore_mem>>)
      %dma_wait3A = arith.constant 0 : i32
      %dma_wait3A_81 = tpu.memref_slice %arg3[%add3A_31, %dma_wait3A] : memref<5120x125xi32, #tpu.memory_space<hbm>> -> memref<40x125xi32, #tpu.memory_space<hbm>>
      %dma_wait3A_82 = arith.constant 0 : i32
      %dma_wait3A_83 = tpu.memref_slice %arg3[%add3A_31, %dma_wait3A_82] : memref<5120x125xi32, #tpu.memory_space<hbm>> -> memref<40x125xi32, #tpu.memory_space<hbm>>
      tpu.wait_dma2 semaphore(%run_scoped3A : memref<!tpu.dma_semaphore, #tpu.memory_space<semaphore_mem>>) src(%dma_wait3A_83 : memref<40x125xi32, #tpu.memory_space<hbm>>) dst(%arg7 : memref<40x125xi32, #tpu.memory_space<vmem>>)
      tpu.yield
    }) : () -> ()
    %dma_start3A = arith.constant 0 : i32
    %dma_start3A_32 = arith.constant 0 : i32
    %dma_start3A_33 = arith.constant 0 : i32
    %dma_start3A_34 = tpu.memref_slice %arg8[%dma_start3A_32, %dma_start3A_33] : memref<128x128xf32, #tpu.memory_space<vmem>> -> memref<125x128xf32, #tpu.memory_space<vmem>>
    %dma_start3A_35 = arith.constant 0 : i32
    %dma_start3A_36 = tpu.memref_slice %arg6[%dma_start3A, %dma_start3A_35] : memref<40x125xi32, #tpu.memory_space<vmem>> -> memref<1x125xi32, #tpu.memory_space<vmem>>
    %dma_start3A_37 = tpu.memref_squeeze %dma_start3A_36 : memref<1x125xi32, #tpu.memory_space<vmem>> -> memref<125xi32, #tpu.memory_space<vmem>>
    %dma_start3A_38 = arith.constant 0 : i32
    %dma_start3A_39 = arith.constant 0 : i32
    %dma_start3A_40 = tpu.memref_slice %arg2[%dma_start3A_38, %dma_start3A_39] : memref<10000x128xf32, #tpu.memory_space<hbm>> -> memref<10000x128xf32, #tpu.memory_space<hbm>>
    tpu.enqueue_indirect_dma source(%dma_start3A_40 : memref<10000x128xf32, #tpu.memory_space<hbm>>) target(%dma_start3A_34 : memref<125x128xf32, #tpu.memory_space<vmem>>) offsets(%dma_start3A_37 : memref<125xi32, #tpu.memory_space<vmem>>) semaphore(%arg11 : memref<!tpu.dma_semaphore, #tpu.memory_space<semaphore_mem>>)
    %scan3A_41 = arith.constant 0 : i32
    %scan3A_42 = arith.constant 0 : i32
    %scan3A_43 = arith.constant 20 : i32
    %scan3A_44 = arith.addi %scan3A_42, %scan3A_43 : i32
    %scan3A_45 = arith.constant 1 : i32
    scf.for %scan3A_77 = %scan3A_42 to %scan3A_44 step %scan3A_45  : i32 {
      %mul3A_78 = arith.constant 2 : i32
      %mul3A_79 = arith.muli %mul3A_78, %scan3A_77 : i32
      %add3A_80 = arith.constant 1 : i32
      %add3A_81 = arith.addi %mul3A_79, %add3A_80 : i32
      %dma_start3A_82 = arith.constant 0 : i32
      %dma_start3A_83 = arith.constant 0 : i32
      %dma_start3A_84 = tpu.memref_slice %arg9[%dma_start3A_82, %dma_start3A_83] : memref<128x128xf32, #tpu.memory_space<vmem>> -> memref<125x128xf32, #tpu.memory_space<vmem>>
      %dma_start3A_85 = arith.constant 0 : i32
      %dma_start3A_86 = tpu.memref_slice %arg6[%add3A_81, %dma_start3A_85] : memref<40x125xi32, #tpu.memory_space<vmem>> -> memref<1x125xi32, #tpu.memory_space<vmem>>
      %dma_start3A_87 = tpu.memref_squeeze %dma_start3A_86 : memref<1x125xi32, #tpu.memory_space<vmem>> -> memref<125xi32, #tpu.memory_space<vmem>>
      %dma_start3A_88 = arith.constant 0 : i32
      %dma_start3A_89 = arith.constant 0 : i32
      %dma_start3A_90 = tpu.memref_slice %arg2[%dma_start3A_88, %dma_start3A_89] : memref<10000x128xf32, #tpu.memory_space<hbm>> -> memref<10000x128xf32, #tpu.memory_space<hbm>>
      tpu.enqueue_indirect_dma source(%dma_start3A_90 : memref<10000x128xf32, #tpu.memory_space<hbm>>) target(%dma_start3A_84 : memref<125x128xf32, #tpu.memory_space<vmem>>) offsets(%dma_start3A_87 : memref<125xi32, #tpu.memory_space<vmem>>) semaphore(%arg12 : memref<!tpu.dma_semaphore, #tpu.memory_space<semaphore_mem>>)
      %dma_wait3A = arith.constant 0 : i32
      %dma_wait3A_91 = arith.constant 0 : i32
      %dma_wait3A_92 = tpu.memref_slice %arg8[%dma_wait3A, %dma_wait3A_91] : memref<128x128xf32, #tpu.memory_space<vmem>> -> memref<125x128xf32, #tpu.memory_space<vmem>>
      %dma_wait3A_93 = arith.constant 0 : i32
      %dma_wait3A_94 = tpu.memref_slice %arg6[%mul3A_79, %dma_wait3A_93] : memref<40x125xi32, #tpu.memory_space<vmem>> -> memref<1x125xi32, #tpu.memory_space<vmem>>
      %dma_wait3A_95 = tpu.memref_squeeze %dma_wait3A_94 : memref<1x125xi32, #tpu.memory_space<vmem>> -> memref<125xi32, #tpu.memory_space<vmem>>
      %dma_wait3A_96 = arith.constant 0 : i32
      %dma_wait3A_97 = arith.constant 0 : i32
      %dma_wait3A_98 = tpu.memref_slice %arg2[%dma_wait3A_96, %dma_wait3A_97] : memref<10000x128xf32, #tpu.memory_space<hbm>> -> memref<10000x128xf32, #tpu.memory_space<hbm>>
      tpu.wait_indirect_dma semaphore(%arg11 : memref<!tpu.dma_semaphore, #tpu.memory_space<semaphore_mem>>) src(%dma_wait3A_98 : memref<10000x128xf32, #tpu.memory_space<hbm>>) dst(%dma_wait3A_92 : memref<125x128xf32, #tpu.memory_space<vmem>>)
      "tpu.region"() ({
        %run_scoped3A = tpu.sem_alloc : memref<!tpu.dma_semaphore, #tpu.memory_space<semaphore_mem>>
        %dma_start3A_118 = arith.constant 0 : i32
        %dma_start3A_119 = arith.constant 0 : i32
        %dma_start3A_120 = tpu.memref_slice %arg8[%dma_start3A_118, %dma_start3A_119] : memref<128x128xf32, #tpu.memory_space<vmem>> -> memref<125x128xf32, #tpu.memory_space<vmem>>
        %dma_start3A_121 = arith.constant 0 : i32
        %dma_start3A_122 = tpu.memref_slice %arg7[%mul3A_79, %dma_start3A_121] : memref<40x125xi32, #tpu.memory_space<vmem>> -> memref<1x125xi32, #tpu.memory_space<vmem>>
        %dma_start3A_123 = tpu.memref_squeeze %dma_start3A_122 : memref<1x125xi32, #tpu.memory_space<vmem>> -> memref<125xi32, #tpu.memory_space<vmem>>
        %dma_start3A_124 = arith.constant 0 : i32
        %dma_start3A_125 = arith.constant 0 : i32
        %dma_start3A_126 = tpu.memref_slice %arg10[%dma_start3A_124, %dma_start3A_125] : memref<10240x128xf32, #tpu.memory_space<vmem_shared>> -> memref<10240x128xf32, #tpu.memory_space<vmem_shared>>
        tpu.enqueue_indirect_dma source(%dma_start3A_120 : memref<125x128xf32, #tpu.memory_space<vmem>>) target(%dma_start3A_126 : memref<10240x128xf32, #tpu.memory_space<vmem_shared>>) offsets(%dma_start3A_123 : memref<125xi32, #tpu.memory_space<vmem>>) semaphore(%run_scoped3A : memref<!tpu.dma_semaphore, #tpu.memory_space<semaphore_mem>>) {add = true}
        %dma_wait3A_127 = arith.constant 0 : i32
        %dma_wait3A_128 = arith.constant 0 : i32
        %dma_wait3A_129 = tpu.memref_slice %arg8[%dma_wait3A_127, %dma_wait3A_128] : memref<128x128xf32, #tpu.memory_space<vmem>> -> memref<125x128xf32, #tpu.memory_space<vmem>>
        %dma_wait3A_130 = arith.constant 0 : i32
        %dma_wait3A_131 = tpu.memref_slice %arg7[%mul3A_79, %dma_wait3A_130] : memref<40x125xi32, #tpu.memory_space<vmem>> -> memref<1x125xi32, #tpu.memory_space<vmem>>
        %dma_wait3A_132 = tpu.memref_squeeze %dma_wait3A_131 : memref<1x125xi32, #tpu.memory_space<vmem>> -> memref<125xi32, #tpu.memory_space<vmem>>
        %dma_wait3A_133 = arith.constant 0 : i32
        %dma_wait3A_134 = arith.constant 0 : i32
        %dma_wait3A_135 = tpu.memref_slice %arg10[%dma_wait3A_133, %dma_wait3A_134] : memref<10240x128xf32, #tpu.memory_space<vmem_shared>> -> memref<10240x128xf32, #tpu.memory_space<vmem_shared>>
        tpu.wait_indirect_dma semaphore(%run_scoped3A : memref<!tpu.dma_semaphore, #tpu.memory_space<semaphore_mem>>) src(%dma_wait3A_129 : memref<125x128xf32, #tpu.memory_space<vmem>>) dst(%dma_wait3A_135 : memref<10240x128xf32, #tpu.memory_space<vmem_shared>>)
        tpu.yield
      }) : () -> ()
      %add3A_99 = arith.constant 1 : i32
      %add3A_100 = arith.addi %scan3A_77, %add3A_99 : i32
      %lt3A = arith.constant 20 : i32
      %lt3A_101 = arith.cmpi slt, %add3A_100, %lt3A : i32
      %convert_element_type3A_102 = arith.extui %lt3A_101 : i1 to i32
      %cond3A_103 = arith.constant 0 : i32
      %cond3A_104 = arith.cmpi ne, %convert_element_type3A_102, %cond3A_103 : i32
      scf.if %cond3A_104 {
        %add3A_118 = arith.constant 2 : i32
        %add3A_119 = arith.addi %mul3A_79, %add3A_118 : i32
        %dma_start3A_120 = arith.constant 0 : i32
        %dma_start3A_121 = arith.constant 0 : i32
        %dma_start3A_122 = tpu.memref_slice %arg8[%dma_start3A_120, %dma_start3A_121] : memref<128x128xf32, #tpu.memory_space<vmem>> -> memref<125x128xf32, #tpu.memory_space<vmem>>
        %dma_start3A_123 = arith.constant 0 : i32
        %dma_start3A_124 = tpu.memref_slice %arg6[%add3A_119, %dma_start3A_123] : memref<40x125xi32, #tpu.memory_space<vmem>> -> memref<1x125xi32, #tpu.memory_space<vmem>>
        %dma_start3A_125 = tpu.memref_squeeze %dma_start3A_124 : memref<1x125xi32, #tpu.memory_space<vmem>> -> memref<125xi32, #tpu.memory_space<vmem>>
        %dma_start3A_126 = arith.constant 0 : i32
        %dma_start3A_127 = arith.constant 0 : i32
        %dma_start3A_128 = tpu.memref_slice %arg2[%dma_start3A_126, %dma_start3A_127] : memref<10000x128xf32, #tpu.memory_space<hbm>> -> memref<10000x128xf32, #tpu.memory_space<hbm>>
        tpu.enqueue_indirect_dma source(%dma_start3A_128 : memref<10000x128xf32, #tpu.memory_space<hbm>>) target(%dma_start3A_122 : memref<125x128xf32, #tpu.memory_space<vmem>>) offsets(%dma_start3A_125 : memref<125xi32, #tpu.memory_space<vmem>>) semaphore(%arg11 : memref<!tpu.dma_semaphore, #tpu.memory_space<semaphore_mem>>)
      } else {
      }
      %add3A_105 = arith.constant 1 : i32
      %add3A_106 = arith.addi %mul3A_79, %add3A_105 : i32
      %dma_wait3A_107 = arith.constant 0 : i32
      %dma_wait3A_108 = arith.constant 0 : i32
      %dma_wait3A_109 = tpu.memref_slice %arg9[%dma_wait3A_107, %dma_wait3A_108] : memref<128x128xf32, #tpu.memory_space<vmem>> -> memref<125x128xf32, #tpu.memory_space<vmem>>
      %dma_wait3A_110 = arith.constant 0 : i32
      %dma_wait3A_111 = tpu.memref_slice %arg6[%add3A_106, %dma_wait3A_110] : memref<40x125xi32, #tpu.memory_space<vmem>> -> memref<1x125xi32, #tpu.memory_space<vmem>>
      %dma_wait3A_112 = tpu.memref_squeeze %dma_wait3A_111 : memref<1x125xi32, #tpu.memory_space<vmem>> -> memref<125xi32, #tpu.memory_space<vmem>>
      %dma_wait3A_113 = arith.constant 0 : i32
      %dma_wait3A_114 = arith.constant 0 : i32
      %dma_wait3A_115 = tpu.memref_slice %arg2[%dma_wait3A_113, %dma_wait3A_114] : memref<10000x128xf32, #tpu.memory_space<hbm>> -> memref<10000x128xf32, #tpu.memory_space<hbm>>
      tpu.wait_indirect_dma semaphore(%arg12 : memref<!tpu.dma_semaphore, #tpu.memory_space<semaphore_mem>>) src(%dma_wait3A_115 : memref<10000x128xf32, #tpu.memory_space<hbm>>) dst(%dma_wait3A_109 : memref<125x128xf32, #tpu.memory_space<vmem>>)
      %add3A_116 = arith.constant 1 : i32
      %add3A_117 = arith.addi %mul3A_79, %add3A_116 : i32
      "tpu.region"() ({
        %run_scoped3A = tpu.sem_alloc : memref<!tpu.dma_semaphore, #tpu.memory_space<semaphore_mem>>
        %dma_start3A_118 = arith.constant 0 : i32
        %dma_start3A_119 = arith.constant 0 : i32
        %dma_start3A_120 = tpu.memref_slice %arg9[%dma_start3A_118, %dma_start3A_119] : memref<128x128xf32, #tpu.memory_space<vmem>> -> memref<125x128xf32, #tpu.memory_space<vmem>>
        %dma_start3A_121 = arith.constant 0 : i32
        %dma_start3A_122 = tpu.memref_slice %arg7[%add3A_117, %dma_start3A_121] : memref<40x125xi32, #tpu.memory_space<vmem>> -> memref<1x125xi32, #tpu.memory_space<vmem>>
        %dma_start3A_123 = tpu.memref_squeeze %dma_start3A_122 : memref<1x125xi32, #tpu.memory_space<vmem>> -> memref<125xi32, #tpu.memory_space<vmem>>
        %dma_start3A_124 = arith.constant 0 : i32
        %dma_start3A_125 = arith.constant 0 : i32
        %dma_start3A_126 = tpu.memref_slice %arg10[%dma_start3A_124, %dma_start3A_125] : memref<10240x128xf32, #tpu.memory_space<vmem_shared>> -> memref<10240x128xf32, #tpu.memory_space<vmem_shared>>
        tpu.enqueue_indirect_dma source(%dma_start3A_120 : memref<125x128xf32, #tpu.memory_space<vmem>>) target(%dma_start3A_126 : memref<10240x128xf32, #tpu.memory_space<vmem_shared>>) offsets(%dma_start3A_123 : memref<125xi32, #tpu.memory_space<vmem>>) semaphore(%run_scoped3A : memref<!tpu.dma_semaphore, #tpu.memory_space<semaphore_mem>>) {add = true}
        %dma_wait3A_127 = arith.constant 0 : i32
        %dma_wait3A_128 = arith.constant 0 : i32
        %dma_wait3A_129 = tpu.memref_slice %arg9[%dma_wait3A_127, %dma_wait3A_128] : memref<128x128xf32, #tpu.memory_space<vmem>> -> memref<125x128xf32, #tpu.memory_space<vmem>>
        %dma_wait3A_130 = arith.constant 0 : i32
        %dma_wait3A_131 = tpu.memref_slice %arg7[%add3A_117, %dma_wait3A_130] : memref<40x125xi32, #tpu.memory_space<vmem>> -> memref<1x125xi32, #tpu.memory_space<vmem>>
        %dma_wait3A_132 = tpu.memref_squeeze %dma_wait3A_131 : memref<1x125xi32, #tpu.memory_space<vmem>> -> memref<125xi32, #tpu.memory_space<vmem>>
        %dma_wait3A_133 = arith.constant 0 : i32
        %dma_wait3A_134 = arith.constant 0 : i32
        %dma_wait3A_135 = tpu.memref_slice %arg10[%dma_wait3A_133, %dma_wait3A_134] : memref<10240x128xf32, #tpu.memory_space<vmem_shared>> -> memref<10240x128xf32, #tpu.memory_space<vmem_shared>>
        tpu.wait_indirect_dma semaphore(%run_scoped3A : memref<!tpu.dma_semaphore, #tpu.memory_space<semaphore_mem>>) src(%dma_wait3A_129 : memref<125x128xf32, #tpu.memory_space<vmem>>) dst(%dma_wait3A_135 : memref<10240x128xf32, #tpu.memory_space<vmem_shared>>)
        tpu.yield
      }) : () -> ()
    }
    %scan3A_46 = arith.constant 20 : i32
    %mul3A_47 = arith.constant 80 : i32
    %mul3A_48 = arith.muli %add3A, %mul3A_47 : i32
    %add3A_49 = arith.constant 40 : i32
    %add3A_50 = arith.addi %mul3A_48, %add3A_49 : i32
    "tpu.region"() ({
      %run_scoped3A = tpu.sem_alloc : memref<!tpu.dma_semaphore, #tpu.memory_space<semaphore_mem>>
      %dma_start3A_77 = arith.constant 0 : i32
      %dma_start3A_78 = tpu.memref_slice %arg3[%add3A_50, %dma_start3A_77] : memref<5120x125xi32, #tpu.memory_space<hbm>> -> memref<40x125xi32, #tpu.memory_space<hbm>>
      %dma_start3A_79 = arith.constant 0 : i32
      %dma_start3A_80 = tpu.memref_slice %arg3[%add3A_50, %dma_start3A_79] : memref<5120x125xi32, #tpu.memory_space<hbm>> -> memref<40x125xi32, #tpu.memory_space<hbm>>
      tpu.enqueue_dma source(%dma_start3A_80 : memref<40x125xi32, #tpu.memory_space<hbm>>) target(%arg6 : memref<40x125xi32, #tpu.memory_space<vmem>>) target_semaphore(%run_scoped3A : memref<!tpu.dma_semaphore, #tpu.memory_space<semaphore_mem>>)
      %dma_wait3A = arith.constant 0 : i32
      %dma_wait3A_81 = tpu.memref_slice %arg3[%add3A_50, %dma_wait3A] : memref<5120x125xi32, #tpu.memory_space<hbm>> -> memref<40x125xi32, #tpu.memory_space<hbm>>
      %dma_wait3A_82 = arith.constant 0 : i32
      %dma_wait3A_83 = tpu.memref_slice %arg3[%add3A_50, %dma_wait3A_82] : memref<5120x125xi32, #tpu.memory_space<hbm>> -> memref<40x125xi32, #tpu.memory_space<hbm>>
      tpu.wait_dma2 semaphore(%run_scoped3A : memref<!tpu.dma_semaphore, #tpu.memory_space<semaphore_mem>>) src(%dma_wait3A_83 : memref<40x125xi32, #tpu.memory_space<hbm>>) dst(%arg6 : memref<40x125xi32, #tpu.memory_space<vmem>>)
      tpu.yield
    }) : () -> ()
    %add3A_51 = arith.constant 2560 : i32
    %add3A_52 = arith.addi %add3A_51, %add3A_50 : i32
    "tpu.region"() ({
      %run_scoped3A = tpu.sem_alloc : memref<!tpu.dma_semaphore, #tpu.memory_space<semaphore_mem>>
      %dma_start3A_77 = arith.constant 0 : i32
      %dma_start3A_78 = tpu.memref_slice %arg3[%add3A_52, %dma_start3A_77] : memref<5120x125xi32, #tpu.memory_space<hbm>> -> memref<40x125xi32, #tpu.memory_space<hbm>>
      %dma_start3A_79 = arith.constant 0 : i32
      %dma_start3A_80 = tpu.memref_slice %arg3[%add3A_52, %dma_start3A_79] : memref<5120x125xi32, #tpu.memory_space<hbm>> -> memref<40x125xi32, #tpu.memory_space<hbm>>
      tpu.enqueue_dma source(%dma_start3A_80 : memref<40x125xi32, #tpu.memory_space<hbm>>) target(%arg7 : memref<40x125xi32, #tpu.memory_space<vmem>>) target_semaphore(%run_scoped3A : memref<!tpu.dma_semaphore, #tpu.memory_space<semaphore_mem>>)
      %dma_wait3A = arith.constant 0 : i32
      %dma_wait3A_81 = tpu.memref_slice %arg3[%add3A_52, %dma_wait3A] : memref<5120x125xi32, #tpu.memory_space<hbm>> -> memref<40x125xi32, #tpu.memory_space<hbm>>
      %dma_wait3A_82 = arith.constant 0 : i32
      %dma_wait3A_83 = tpu.memref_slice %arg3[%add3A_52, %dma_wait3A_82] : memref<5120x125xi32, #tpu.memory_space<hbm>> -> memref<40x125xi32, #tpu.memory_space<hbm>>
      tpu.wait_dma2 semaphore(%run_scoped3A : memref<!tpu.dma_semaphore, #tpu.memory_space<semaphore_mem>>) src(%dma_wait3A_83 : memref<40x125xi32, #tpu.memory_space<hbm>>) dst(%arg7 : memref<40x125xi32, #tpu.memory_space<vmem>>)
      tpu.yield
    }) : () -> ()
    %dma_start3A_53 = arith.constant 0 : i32
    %dma_start3A_54 = arith.constant 0 : i32
    %dma_start3A_55 = arith.constant 0 : i32
    %dma_start3A_56 = tpu.memref_slice %arg8[%dma_start3A_54, %dma_start3A_55] : memref<128x128xf32, #tpu.memory_space<vmem>> -> memref<125x128xf32, #tpu.memory_space<vmem>>
    %dma_start3A_57 = arith.constant 0 : i32
    %dma_start3A_58 = tpu.memref_slice %arg6[%dma_start3A_53, %dma_start3A_57] : memref<40x125xi32, #tpu.memory_space<vmem>> -> memref<1x125xi32, #tpu.memory_space<vmem>>
    %dma_start3A_59 = tpu.memref_squeeze %dma_start3A_58 : memref<1x125xi32, #tpu.memory_space<vmem>> -> memref<125xi32, #tpu.memory_space<vmem>>
    %dma_start3A_60 = arith.constant 0 : i32
    %dma_start3A_61 = arith.constant 0 : i32
    %dma_start3A_62 = tpu.memref_slice %arg2[%dma_start3A_60, %dma_start3A_61] : memref<10000x128xf32, #tpu.memory_space<hbm>> -> memref<10000x128xf32, #tpu.memory_space<hbm>>
    tpu.enqueue_indirect_dma source(%dma_start3A_62 : memref<10000x128xf32, #tpu.memory_space<hbm>>) target(%dma_start3A_56 : memref<125x128xf32, #tpu.memory_space<vmem>>) offsets(%dma_start3A_59 : memref<125xi32, #tpu.memory_space<vmem>>) semaphore(%arg11 : memref<!tpu.dma_semaphore, #tpu.memory_space<semaphore_mem>>)
    %scan3A_63 = arith.constant 0 : i32
    %scan3A_64 = arith.constant 0 : i32
    %scan3A_65 = arith.constant 20 : i32
    %scan3A_66 = arith.addi %scan3A_64, %scan3A_65 : i32
    %scan3A_67 = arith.constant 1 : i32
    scf.for %scan3A_77 = %scan3A_64 to %scan3A_66 step %scan3A_67  : i32 {
      %mul3A_78 = arith.constant 2 : i32
      %mul3A_79 = arith.muli %mul3A_78, %scan3A_77 : i32
      %add3A_80 = arith.constant 1 : i32
      %add3A_81 = arith.addi %mul3A_79, %add3A_80 : i32
      %dma_start3A_82 = arith.constant 0 : i32
      %dma_start3A_83 = arith.constant 0 : i32
      %dma_start3A_84 = tpu.memref_slice %arg9[%dma_start3A_82, %dma_start3A_83] : memref<128x128xf32, #tpu.memory_space<vmem>> -> memref<125x128xf32, #tpu.memory_space<vmem>>
      %dma_start3A_85 = arith.constant 0 : i32
      %dma_start3A_86 = tpu.memref_slice %arg6[%add3A_81, %dma_start3A_85] : memref<40x125xi32, #tpu.memory_space<vmem>> -> memref<1x125xi32, #tpu.memory_space<vmem>>
      %dma_start3A_87 = tpu.memref_squeeze %dma_start3A_86 : memref<1x125xi32, #tpu.memory_space<vmem>> -> memref<125xi32, #tpu.memory_space<vmem>>
      %dma_start3A_88 = arith.constant 0 : i32
      %dma_start3A_89 = arith.constant 0 : i32
      %dma_start3A_90 = tpu.memref_slice %arg2[%dma_start3A_88, %dma_start3A_89] : memref<10000x128xf32, #tpu.memory_space<hbm>> -> memref<10000x128xf32, #tpu.memory_space<hbm>>
      tpu.enqueue_indirect_dma source(%dma_start3A_90 : memref<10000x128xf32, #tpu.memory_space<hbm>>) target(%dma_start3A_84 : memref<125x128xf32, #tpu.memory_space<vmem>>) offsets(%dma_start3A_87 : memref<125xi32, #tpu.memory_space<vmem>>) semaphore(%arg12 : memref<!tpu.dma_semaphore, #tpu.memory_space<semaphore_mem>>)
      %dma_wait3A = arith.constant 0 : i32
      %dma_wait3A_91 = arith.constant 0 : i32
      %dma_wait3A_92 = tpu.memref_slice %arg8[%dma_wait3A, %dma_wait3A_91] : memref<128x128xf32, #tpu.memory_space<vmem>> -> memref<125x128xf32, #tpu.memory_space<vmem>>
      %dma_wait3A_93 = arith.constant 0 : i32
      %dma_wait3A_94 = tpu.memref_slice %arg6[%mul3A_79, %dma_wait3A_93] : memref<40x125xi32, #tpu.memory_space<vmem>> -> memref<1x125xi32, #tpu.memory_space<vmem>>
      %dma_wait3A_95 = tpu.memref_squeeze %dma_wait3A_94 : memref<1x125xi32, #tpu.memory_space<vmem>> -> memref<125xi32, #tpu.memory_space<vmem>>
      %dma_wait3A_96 = arith.constant 0 : i32
      %dma_wait3A_97 = arith.constant 0 : i32
      %dma_wait3A_98 = tpu.memref_slice %arg2[%dma_wait3A_96, %dma_wait3A_97] : memref<10000x128xf32, #tpu.memory_space<hbm>> -> memref<10000x128xf32, #tpu.memory_space<hbm>>
      tpu.wait_indirect_dma semaphore(%arg11 : memref<!tpu.dma_semaphore, #tpu.memory_space<semaphore_mem>>) src(%dma_wait3A_98 : memref<10000x128xf32, #tpu.memory_space<hbm>>) dst(%dma_wait3A_92 : memref<125x128xf32, #tpu.memory_space<vmem>>)
      "tpu.region"() ({
        %run_scoped3A = tpu.sem_alloc : memref<!tpu.dma_semaphore, #tpu.memory_space<semaphore_mem>>
        %dma_start3A_118 = arith.constant 0 : i32
        %dma_start3A_119 = arith.constant 0 : i32
        %dma_start3A_120 = tpu.memref_slice %arg8[%dma_start3A_118, %dma_start3A_119] : memref<128x128xf32, #tpu.memory_space<vmem>> -> memref<125x128xf32, #tpu.memory_space<vmem>>
        %dma_start3A_121 = arith.constant 0 : i32
        %dma_start3A_122 = tpu.memref_slice %arg7[%mul3A_79, %dma_start3A_121] : memref<40x125xi32, #tpu.memory_space<vmem>> -> memref<1x125xi32, #tpu.memory_space<vmem>>
        %dma_start3A_123 = tpu.memref_squeeze %dma_start3A_122 : memref<1x125xi32, #tpu.memory_space<vmem>> -> memref<125xi32, #tpu.memory_space<vmem>>
        %dma_start3A_124 = arith.constant 0 : i32
        %dma_start3A_125 = arith.constant 0 : i32
        %dma_start3A_126 = tpu.memref_slice %arg10[%dma_start3A_124, %dma_start3A_125] : memref<10240x128xf32, #tpu.memory_space<vmem_shared>> -> memref<10240x128xf32, #tpu.memory_space<vmem_shared>>
        tpu.enqueue_indirect_dma source(%dma_start3A_120 : memref<125x128xf32, #tpu.memory_space<vmem>>) target(%dma_start3A_126 : memref<10240x128xf32, #tpu.memory_space<vmem_shared>>) offsets(%dma_start3A_123 : memref<125xi32, #tpu.memory_space<vmem>>) semaphore(%run_scoped3A : memref<!tpu.dma_semaphore, #tpu.memory_space<semaphore_mem>>) {add = true}
        %dma_wait3A_127 = arith.constant 0 : i32
        %dma_wait3A_128 = arith.constant 0 : i32
        %dma_wait3A_129 = tpu.memref_slice %arg8[%dma_wait3A_127, %dma_wait3A_128] : memref<128x128xf32, #tpu.memory_space<vmem>> -> memref<125x128xf32, #tpu.memory_space<vmem>>
        %dma_wait3A_130 = arith.constant 0 : i32
        %dma_wait3A_131 = tpu.memref_slice %arg7[%mul3A_79, %dma_wait3A_130] : memref<40x125xi32, #tpu.memory_space<vmem>> -> memref<1x125xi32, #tpu.memory_space<vmem>>
        %dma_wait3A_132 = tpu.memref_squeeze %dma_wait3A_131 : memref<1x125xi32, #tpu.memory_space<vmem>> -> memref<125xi32, #tpu.memory_space<vmem>>
        %dma_wait3A_133 = arith.constant 0 : i32
        %dma_wait3A_134 = arith.constant 0 : i32
        %dma_wait3A_135 = tpu.memref_slice %arg10[%dma_wait3A_133, %dma_wait3A_134] : memref<10240x128xf32, #tpu.memory_space<vmem_shared>> -> memref<10240x128xf32, #tpu.memory_space<vmem_shared>>
        tpu.wait_indirect_dma semaphore(%run_scoped3A : memref<!tpu.dma_semaphore, #tpu.memory_space<semaphore_mem>>) src(%dma_wait3A_129 : memref<125x128xf32, #tpu.memory_space<vmem>>) dst(%dma_wait3A_135 : memref<10240x128xf32, #tpu.memory_space<vmem_shared>>)
        tpu.yield
      }) : () -> ()
      %add3A_99 = arith.constant 1 : i32
      %add3A_100 = arith.addi %scan3A_77, %add3A_99 : i32
      %lt3A = arith.constant 20 : i32
      %lt3A_101 = arith.cmpi slt, %add3A_100, %lt3A : i32
      %convert_element_type3A_102 = arith.extui %lt3A_101 : i1 to i32
      %cond3A_103 = arith.constant 0 : i32
      %cond3A_104 = arith.cmpi ne, %convert_element_type3A_102, %cond3A_103 : i32
      scf.if %cond3A_104 {
        %add3A_118 = arith.constant 2 : i32
        %add3A_119 = arith.addi %mul3A_79, %add3A_118 : i32
        %dma_start3A_120 = arith.constant 0 : i32
        %dma_start3A_121 = arith.constant 0 : i32
        %dma_start3A_122 = tpu.memref_slice %arg8[%dma_start3A_120, %dma_start3A_121] : memref<128x128xf32, #tpu.memory_space<vmem>> -> memref<125x128xf32, #tpu.memory_space<vmem>>
        %dma_start3A_123 = arith.constant 0 : i32
        %dma_start3A_124 = tpu.memref_slice %arg6[%add3A_119, %dma_start3A_123] : memref<40x125xi32, #tpu.memory_space<vmem>> -> memref<1x125xi32, #tpu.memory_space<vmem>>
        %dma_start3A_125 = tpu.memref_squeeze %dma_start3A_124 : memref<1x125xi32, #tpu.memory_space<vmem>> -> memref<125xi32, #tpu.memory_space<vmem>>
        %dma_start3A_126 = arith.constant 0 : i32
        %dma_start3A_127 = arith.constant 0 : i32
        %dma_start3A_128 = tpu.memref_slice %arg2[%dma_start3A_126, %dma_start3A_127] : memref<10000x128xf32, #tpu.memory_space<hbm>> -> memref<10000x128xf32, #tpu.memory_space<hbm>>
        tpu.enqueue_indirect_dma source(%dma_start3A_128 : memref<10000x128xf32, #tpu.memory_space<hbm>>) target(%dma_start3A_122 : memref<125x128xf32, #tpu.memory_space<vmem>>) offsets(%dma_start3A_125 : memref<125xi32, #tpu.memory_space<vmem>>) semaphore(%arg11 : memref<!tpu.dma_semaphore, #tpu.memory_space<semaphore_mem>>)
      } else {
      }
      %add3A_105 = arith.constant 1 : i32
      %add3A_106 = arith.addi %mul3A_79, %add3A_105 : i32
      %dma_wait3A_107 = arith.constant 0 : i32
      %dma_wait3A_108 = arith.constant 0 : i32
      %dma_wait3A_109 = tpu.memref_slice %arg9[%dma_wait3A_107, %dma_wait3A_108] : memref<128x128xf32, #tpu.memory_space<vmem>> -> memref<125x128xf32, #tpu.memory_space<vmem>>
      %dma_wait3A_110 = arith.constant 0 : i32
      %dma_wait3A_111 = tpu.memref_slice %arg6[%add3A_106, %dma_wait3A_110] : memref<40x125xi32, #tpu.memory_space<vmem>> -> memref<1x125xi32, #tpu.memory_space<vmem>>
      %dma_wait3A_112 = tpu.memref_squeeze %dma_wait3A_111 : memref<1x125xi32, #tpu.memory_space<vmem>> -> memref<125xi32, #tpu.memory_space<vmem>>
      %dma_wait3A_113 = arith.constant 0 : i32
      %dma_wait3A_114 = arith.constant 0 : i32
      %dma_wait3A_115 = tpu.memref_slice %arg2[%dma_wait3A_113, %dma_wait3A_114] : memref<10000x128xf32, #tpu.memory_space<hbm>> -> memref<10000x128xf32, #tpu.memory_space<hbm>>
      tpu.wait_indirect_dma semaphore(%arg12 : memref<!tpu.dma_semaphore, #tpu.memory_space<semaphore_mem>>) src(%dma_wait3A_115 : memref<10000x128xf32, #tpu.memory_space<hbm>>) dst(%dma_wait3A_109 : memref<125x128xf32, #tpu.memory_space<vmem>>)
      %add3A_116 = arith.constant 1 : i32
      %add3A_117 = arith.addi %mul3A_79, %add3A_116 : i32
      "tpu.region"() ({
        %run_scoped3A = tpu.sem_alloc : memref<!tpu.dma_semaphore, #tpu.memory_space<semaphore_mem>>
        %dma_start3A_118 = arith.constant 0 : i32
        %dma_start3A_119 = arith.constant 0 : i32
        %dma_start3A_120 = tpu.memref_slice %arg9[%dma_start3A_118, %dma_start3A_119] : memref<128x128xf32, #tpu.memory_space<vmem>> -> memref<125x128xf32, #tpu.memory_space<vmem>>
        %dma_start3A_121 = arith.constant 0 : i32
        %dma_start3A_122 = tpu.memref_slice %arg7[%add3A_117, %dma_start3A_121] : memref<40x125xi32, #tpu.memory_space<vmem>> -> memref<1x125xi32, #tpu.memory_space<vmem>>
        %dma_start3A_123 = tpu.memref_squeeze %dma_start3A_122 : memref<1x125xi32, #tpu.memory_space<vmem>> -> memref<125xi32, #tpu.memory_space<vmem>>
        %dma_start3A_124 = arith.constant 0 : i32
        %dma_start3A_125 = arith.constant 0 : i32
        %dma_start3A_126 = tpu.memref_slice %arg10[%dma_start3A_124, %dma_start3A_125] : memref<10240x128xf32, #tpu.memory_space<vmem_shared>> -> memref<10240x128xf32, #tpu.memory_space<vmem_shared>>
        tpu.enqueue_indirect_dma source(%dma_start3A_120 : memref<125x128xf32, #tpu.memory_space<vmem>>) target(%dma_start3A_126 : memref<10240x128xf32, #tpu.memory_space<vmem_shared>>) offsets(%dma_start3A_123 : memref<125xi32, #tpu.memory_space<vmem>>) semaphore(%run_scoped3A : memref<!tpu.dma_semaphore, #tpu.memory_space<semaphore_mem>>) {add = true}
        %dma_wait3A_127 = arith.constant 0 : i32
        %dma_wait3A_128 = arith.constant 0 : i32
        %dma_wait3A_129 = tpu.memref_slice %arg9[%dma_wait3A_127, %dma_wait3A_128] : memref<128x128xf32, #tpu.memory_space<vmem>> -> memref<125x128xf32, #tpu.memory_space<vmem>>
        %dma_wait3A_130 = arith.constant 0 : i32
        %dma_wait3A_131 = tpu.memref_slice %arg7[%add3A_117, %dma_wait3A_130] : memref<40x125xi32, #tpu.memory_space<vmem>> -> memref<1x125xi32, #tpu.memory_space<vmem>>
        %dma_wait3A_132 = tpu.memref_squeeze %dma_wait3A_131 : memref<1x125xi32, #tpu.memory_space<vmem>> -> memref<125xi32, #tpu.memory_space<vmem>>
        %dma_wait3A_133 = arith.constant 0 : i32
        %dma_wait3A_134 = arith.constant 0 : i32
        %dma_wait3A_135 = tpu.memref_slice %arg10[%dma_wait3A_133, %dma_wait3A_134] : memref<10240x128xf32, #tpu.memory_space<vmem_shared>> -> memref<10240x128xf32, #tpu.memory_space<vmem_shared>>
        tpu.wait_indirect_dma semaphore(%run_scoped3A : memref<!tpu.dma_semaphore, #tpu.memory_space<semaphore_mem>>) src(%dma_wait3A_129 : memref<125x128xf32, #tpu.memory_space<vmem>>) dst(%dma_wait3A_135 : memref<10240x128xf32, #tpu.memory_space<vmem_shared>>)
        tpu.yield
      }) : () -> ()
    }
    %scan3A_68 = arith.constant 20 : i32
    %barrier3A_69 = arith.constant 0 : index
    tpu.barrier barrier_id(%barrier3A_69)
    %eq3A = arith.constant 0 : i32
    %eq3A_70 = arith.cmpi eq, %arg0, %eq3A : i32
    %convert_element_type3A = arith.extui %eq3A_70 : i1 to i32
    %cond3A = arith.constant 0 : i32
    %cond3A_71 = arith.cmpi ne, %convert_element_type3A, %cond3A : i32
    scf.if %cond3A_71 {
      %mul3A_77 = arith.constant 640 : i32
      %mul3A_78 = arith.muli %arg1, %mul3A_77 : i32
      %mul3A_79 = arith.constant 640 : i32
      %mul3A_80 = arith.muli %arg1, %mul3A_79 : i32
      "tpu.region"() ({
        %run_scoped3A = tpu.sem_alloc : memref<!tpu.dma_semaphore, #tpu.memory_space<semaphore_mem>>
        %dma_start3A_81 = arith.constant 0 : i32
        %dma_start3A_82 = tpu.memref_slice %arg4[%mul3A_80, %dma_start3A_81] : memref<10240x128xf32, #tpu.memory_space<hbm>> -> memref<640x128xf32, #tpu.memory_space<hbm>>
        %dma_start3A_83 = arith.constant 0 : i32
        %dma_start3A_84 = tpu.memref_slice %arg10[%mul3A_78, %dma_start3A_83] : memref<10240x128xf32, #tpu.memory_space<vmem_shared>> -> memref<640x128xf32, #tpu.memory_space<vmem_shared>>
        tpu.enqueue_dma source(%dma_start3A_84 : memref<640x128xf32, #tpu.memory_space<vmem_shared>>) target(%dma_start3A_82 : memref<640x128xf32, #tpu.memory_space<hbm>>) target_semaphore(%run_scoped3A : memref<!tpu.dma_semaphore, #tpu.memory_space<semaphore_mem>>)
        %dma_wait3A = arith.constant 0 : i32
        %dma_wait3A_85 = tpu.memref_slice %arg4[%mul3A_80, %dma_wait3A] : memref<10240x128xf32, #tpu.memory_space<hbm>> -> memref<640x128xf32, #tpu.memory_space<hbm>>
        %dma_wait3A_86 = arith.constant 0 : i32
        %dma_wait3A_87 = tpu.memref_slice %arg10[%mul3A_78, %dma_wait3A_86] : memref<10240x128xf32, #tpu.memory_space<vmem_shared>> -> memref<640x128xf32, #tpu.memory_space<vmem_shared>>
        tpu.wait_dma2 semaphore(%run_scoped3A : memref<!tpu.dma_semaphore, #tpu.memory_space<semaphore_mem>>) src(%dma_wait3A_87 : memref<640x128xf32, #tpu.memory_space<vmem_shared>>) dst(%dma_wait3A_85 : memref<640x128xf32, #tpu.memory_space<hbm>>)
        tpu.yield
      }) : () -> ()
    } else {
    }
    %eq3A_72 = arith.constant 1 : i32
    %eq3A_73 = arith.cmpi eq, %arg0, %eq3A_72 : i32
    %convert_element_type3A_74 = arith.extui %eq3A_73 : i1 to i32
    %cond3A_75 = arith.constant 0 : i32
    %cond3A_76 = arith.cmpi ne, %convert_element_type3A_74, %cond3A_75 : i32
    scf.if %cond3A_76 {
      %mul3A_77 = arith.constant 640 : i32
      %mul3A_78 = arith.muli %arg1, %mul3A_77 : i32
      %mul3A_79 = arith.constant 640 : i32
      %mul3A_80 = arith.muli %arg1, %mul3A_79 : i32
      "tpu.region"() ({
        %run_scoped3A = tpu.sem_alloc : memref<!tpu.dma_semaphore, #tpu.memory_space<semaphore_mem>>
        %dma_start3A_81 = arith.constant 0 : i32
        %dma_start3A_82 = tpu.memref_slice %arg5[%mul3A_80, %dma_start3A_81] : memref<10240x128xf32, #tpu.memory_space<hbm>> -> memref<640x128xf32, #tpu.memory_space<hbm>>
        %dma_start3A_83 = arith.constant 0 : i32
        %dma_start3A_84 = tpu.memref_slice %arg10[%mul3A_78, %dma_start3A_83] : memref<10240x128xf32, #tpu.memory_space<vmem_shared>> -> memref<640x128xf32, #tpu.memory_space<vmem_shared>>
        tpu.enqueue_dma source(%dma_start3A_84 : memref<640x128xf32, #tpu.memory_space<vmem_shared>>) target(%dma_start3A_82 : memref<640x128xf32, #tpu.memory_space<hbm>>) target_semaphore(%run_scoped3A : memref<!tpu.dma_semaphore, #tpu.memory_space<semaphore_mem>>)
        %dma_wait3A = arith.constant 0 : i32
        %dma_wait3A_85 = tpu.memref_slice %arg5[%mul3A_80, %dma_wait3A] : memref<10240x128xf32, #tpu.memory_space<hbm>> -> memref<640x128xf32, #tpu.memory_space<hbm>>
        %dma_wait3A_86 = arith.constant 0 : i32
        %dma_wait3A_87 = tpu.memref_slice %arg10[%mul3A_78, %dma_wait3A_86] : memref<10240x128xf32, #tpu.memory_space<vmem_shared>> -> memref<640x128xf32, #tpu.memory_space<vmem_shared>>
        tpu.wait_dma2 semaphore(%run_scoped3A : memref<!tpu.dma_semaphore, #tpu.memory_space<semaphore_mem>>) src(%dma_wait3A_87 : memref<640x128xf32, #tpu.memory_space<vmem_shared>>) dst(%dma_wait3A_85 : memref<640x128xf32, #tpu.memory_space<hbm>>)
        tpu.yield
      }) : () -> ()
    } else {
    }
    return
  }
}

module attributes {stable_mosaic.version = 14 : i64} {
  func.func @_mm_body(%arg0: i32, %arg1: memref<2000x128xf32, #tpu.memory_space<vmem>>, %arg2: memref<128x128xf32, #tpu.memory_space<vmem>>, %arg3: memref<2000x1xf32, #tpu.memory_space<vmem>>, %arg4: memref<2000x1xf32, #tpu.memory_space<vmem>>, %arg5: memref<2000x128xf32, #tpu.memory_space<vmem>>) attributes {dimension_semantics = [#tpu.dimension_semantics<arbitrary>], iteration_bounds = array<i64: 5>, scalar_prefetch = 0 : i64, scratch_operands = 0 : i64, tpu.core_type = #tpu.core_type<tc>, window_params = [{transform_indices = @transform_0, window_bounds = array<i64: 2000, 128>}, {pipeline_mode = #tpu.pipeline_mode<synchronous>, transform_indices = @transform_1, window_bounds = array<i64: 128, 128>}, {transform_indices = @transform_2, window_bounds = array<i64: 2000, 1>}, {transform_indices = @transform_3, window_bounds = array<i64: 2000, 1>}, {transform_indices = @transform_4, window_bounds = array<i64: 2000, 128>}]} {
    %get3A = arith.constant 0 : index
    %get3A_0 = arith.constant 0 : index
    %get3A_1 = vector.load %arg3[%get3A, %get3A_0] : memref<2000x1xf32, #tpu.memory_space<vmem>>, vector<2000x1xf32>
    %get3A_2 = arith.constant 0 : index
    %get3A_3 = arith.constant 0 : index
    %get3A_4 = vector.load %arg4[%get3A_2, %get3A_3] : memref<2000x1xf32, #tpu.memory_space<vmem>>, vector<2000x1xf32>
    %add3A = arith.addf %get3A_1, %get3A_4 : vector<2000x1xf32>
    %add3A_5 = arith.constant 1.000000e+00 : f32
    %add3A_6 = vector.broadcast %add3A_5 : f32 to vector<2000x1xf32>
    %add3A_7 = arith.addf %add3A, %add3A_6 : vector<2000x1xf32>
    %rsqrt3A = math.rsqrt %add3A_7 : vector<2000x1xf32>
    %get3A_8 = arith.constant 0 : index
    %get3A_9 = arith.constant 0 : index
    %get3A_10 = vector.load %arg1[%get3A_8, %get3A_9] : memref<2000x128xf32, #tpu.memory_space<vmem>>, vector<2000x128xf32>
    %get3A_11 = arith.constant 0 : index
    %get3A_12 = arith.constant 0 : index
    %get3A_13 = vector.load %arg2[%get3A_11, %get3A_12] : memref<128x128xf32, #tpu.memory_space<vmem>>, vector<128x128xf32>
    %dot_general3A = arith.constant dense<0.000000e+00> : vector<2000x128xf32>
    %dot_general3A_14 = tpu.matmul %get3A_10, %get3A_13, %dot_general3A {dimension_numbers = #tpu.dot_dimension_numbers<[1], [0], [0], [1], [0, 0, 1, 1], [], []>, transpose_lhs_hint = false} : vector<2000x128xf32>, vector<128x128xf32>, vector<2000x128xf32> -> vector<2000x128xf32>
    %mul3A = vector.broadcast %rsqrt3A : vector<2000x1xf32> to vector<2000x128xf32>
    %mul3A_15 = arith.mulf %dot_general3A_14, %mul3A : vector<2000x128xf32>
    %swap3A = arith.constant 0 : index
    %swap3A_16 = arith.constant 0 : index
    %swap3A_17 = vector.load %arg5[%swap3A, %swap3A_16] : memref<2000x128xf32, #tpu.memory_space<vmem>>, vector<2000x128xf32>
    tpu.vector_store %arg5[%swap3A, %swap3A_16], %mul3A_15 {strides = array<i32>} : memref<2000x128xf32, #tpu.memory_space<vmem>>, vector<2000x128xf32>,
    return
  }
  func.func @transform_0(%arg0: i32) -> (i32, i32) {
    %c0_i32 = arith.constant 0 : i32
    %c0_i32_0 = arith.constant 0 : i32
    return %arg0, %c0_i32 : i32, i32
  }
  func.func @transform_1(%arg0: i32) -> (i32, i32) {
    %c0_i32 = arith.constant 0 : i32
    %c0_i32_0 = arith.constant 0 : i32
    %c0_i32_1 = arith.constant 0 : i32
    return %c0_i32, %c0_i32_0 : i32, i32
  }
  func.func @transform_2(%arg0: i32) -> (i32, i32) {
    %c0_i32 = arith.constant 0 : i32
    %c0_i32_0 = arith.constant 0 : i32
    return %arg0, %c0_i32 : i32, i32
  }
  func.func @transform_3(%arg0: i32) -> (i32, i32) {
    %c0_i32 = arith.constant 0 : i32
    %c0_i32_0 = arith.constant 0 : i32
    return %arg0, %c0_i32 : i32, i32
  }
  func.func @transform_4(%arg0: i32) -> (i32, i32) {
    %c0_i32 = arith.constant 0 : i32
    %c0_i32_0 = arith.constant 0 : i32
    return %arg0, %c0_i32 : i32, i32
  }
}

module attributes {stable_mosaic.version = 14 : i64} {
  func.func @_fin_body(%arg0: i32, %arg1: memref<2000x128xf32, #tpu.memory_space<vmem>>, %arg2: memref<2000x128xf32, #tpu.memory_space<vmem>>, %arg3: memref<2000x128xf32, #tpu.memory_space<vmem>>, %arg4: memref<2000x1xf32, #tpu.memory_space<vmem>>, %arg5: memref<2000x1xf32, #tpu.memory_space<vmem>>, %arg6: memref<1x128xf32, #tpu.memory_space<vmem>>, %arg7: memref<2000x128xf32, #tpu.memory_space<vmem>>) attributes {dimension_semantics = [#tpu.dimension_semantics<arbitrary>], iteration_bounds = array<i64: 5>, scalar_prefetch = 0 : i64, scratch_operands = 0 : i64, tpu.core_type = #tpu.core_type<tc>, window_params = [{transform_indices = @transform_0, window_bounds = array<i64: 2000, 128>}, {transform_indices = @transform_1, window_bounds = array<i64: 2000, 128>}, {transform_indices = @transform_2, window_bounds = array<i64: 2000, 128>}, {transform_indices = @transform_3, window_bounds = array<i64: 2000, 1>}, {transform_indices = @transform_4, window_bounds = array<i64: 2000, 1>}, {pipeline_mode = #tpu.pipeline_mode<synchronous>, transform_indices = @transform_5, window_bounds = array<i64: 1, 128>}, {transform_indices = @transform_6, window_bounds = array<i64: 2000, 128>}]} {
    %get3A = arith.constant 0 : index
    %get3A_0 = arith.constant 0 : index
    %get3A_1 = vector.load %arg4[%get3A, %get3A_0] : memref<2000x1xf32, #tpu.memory_space<vmem>>, vector<2000x1xf32>
    %get3A_2 = arith.constant 0 : index
    %get3A_3 = arith.constant 0 : index
    %get3A_4 = vector.load %arg5[%get3A_2, %get3A_3] : memref<2000x1xf32, #tpu.memory_space<vmem>>, vector<2000x1xf32>
    %add3A = arith.addf %get3A_1, %get3A_4 : vector<2000x1xf32>
    %add3A_5 = arith.constant 1.000000e+00 : f32
    %add3A_6 = vector.broadcast %add3A_5 : f32 to vector<2000x1xf32>
    %add3A_7 = arith.addf %add3A, %add3A_6 : vector<2000x1xf32>
    %rsqrt3A = math.rsqrt %add3A_7 : vector<2000x1xf32>
    %get3A_8 = arith.constant 0 : index
    %get3A_9 = arith.constant 0 : index
    %get3A_10 = vector.load %arg1[%get3A_8, %get3A_9] : memref<2000x128xf32, #tpu.memory_space<vmem>>, vector<2000x128xf32>
    %get3A_11 = arith.constant 0 : index
    %get3A_12 = arith.constant 0 : index
    %get3A_13 = vector.load %arg2[%get3A_11, %get3A_12] : memref<2000x128xf32, #tpu.memory_space<vmem>>, vector<2000x128xf32>
    %add3A_14 = arith.addf %get3A_10, %get3A_13 : vector<2000x128xf32>
    %get3A_15 = arith.constant 0 : index
    %get3A_16 = arith.constant 0 : index
    %get3A_17 = vector.load %arg3[%get3A_15, %get3A_16] : memref<2000x128xf32, #tpu.memory_space<vmem>>, vector<2000x128xf32>
    %add3A_18 = arith.addf %add3A_14, %get3A_17 : vector<2000x128xf32>
    %mul3A = vector.broadcast %rsqrt3A : vector<2000x1xf32> to vector<2000x128xf32>
    %mul3A_19 = arith.mulf %mul3A, %add3A_18 : vector<2000x128xf32>
    %get3A_20 = arith.constant 0 : index
    %get3A_21 = arith.constant 0 : index
    %get3A_22 = vector.load %arg6[%get3A_20, %get3A_21] : memref<1x128xf32, #tpu.memory_space<vmem>>, vector<1x128xf32>
    %add3A_23 = vector.broadcast %get3A_22 : vector<1x128xf32> to vector<2000x128xf32>
    %add3A_24 = arith.addf %mul3A_19, %add3A_23 : vector<2000x128xf32>
    %ge3A = arith.constant 0.000000e+00 : f32
    %ge3A_25 = vector.broadcast %ge3A : f32 to vector<2000x128xf32>
    %ge3A_26 = arith.cmpf oge, %add3A_24, %ge3A_25 : vector<2000x128xf32>
    %mul3A_27 = arith.constant 0.00999999977 : f32
    %mul3A_28 = vector.broadcast %mul3A_27 : f32 to vector<2000x128xf32>
    %mul3A_29 = arith.mulf %mul3A_28, %add3A_24 : vector<2000x128xf32>
    %select_n3A = arith.select %ge3A_26, %add3A_24, %mul3A_29 : vector<2000x128xi1>, vector<2000x128xf32>
    %add3A_30 = arith.addf %add3A_24, %select_n3A : vector<2000x128xf32>
    %swap3A = arith.constant 0 : index
    %swap3A_31 = arith.constant 0 : index
    %swap3A_32 = vector.load %arg7[%swap3A, %swap3A_31] : memref<2000x128xf32, #tpu.memory_space<vmem>>, vector<2000x128xf32>
    tpu.vector_store %arg7[%swap3A, %swap3A_31], %add3A_30 {strides = array<i32>} : memref<2000x128xf32, #tpu.memory_space<vmem>>, vector<2000x128xf32>,
    return
  }
  func.func @transform_0(%arg0: i32) -> (i32, i32) {
    %c0_i32 = arith.constant 0 : i32
    %c0_i32_0 = arith.constant 0 : i32
    return %arg0, %c0_i32 : i32, i32
  }
  func.func @transform_1(%arg0: i32) -> (i32, i32) {
    %c0_i32 = arith.constant 0 : i32
    %c0_i32_0 = arith.constant 0 : i32
    return %arg0, %c0_i32 : i32, i32
  }
  func.func @transform_2(%arg0: i32) -> (i32, i32) {
    %c0_i32 = arith.constant 0 : i32
    %c0_i32_0 = arith.constant 0 : i32
    return %arg0, %c0_i32 : i32, i32
  }
  func.func @transform_3(%arg0: i32) -> (i32, i32) {
    %c0_i32 = arith.constant 0 : i32
    %c0_i32_0 = arith.constant 0 : i32
    return %arg0, %c0_i32 : i32, i32
  }
  func.func @transform_4(%arg0: i32) -> (i32, i32) {
    %c0_i32 = arith.constant 0 : i32
    %c0_i32_0 = arith.constant 0 : i32
    return %arg0, %c0_i32 : i32, i32
  }
  func.func @transform_5(%arg0: i32) -> (i32, i32) {
    %c0_i32 = arith.constant 0 : i32
    %c0_i32_0 = arith.constant 0 : i32
    %c0_i32_1 = arith.constant 0 : i32
    return %c0_i32, %c0_i32_0 : i32, i32
  }
  func.func @transform_6(%arg0: i32) -> (i32, i32) {
    %c0_i32 = arith.constant 0 : i32
    %c0_i32_0 = arith.constant 0 : i32
    return %arg0, %c0_i32 : i32, i32
  }
}

</mosaic_0001>

<sc_bundles>
// kernel: kernel.6.cloned.1.call-start
scs
__scs_entry_jumppad:
0x0: {  	(pc) =	sbr.rel $0x88, $3  }
0x1: {  	(tag) =	ssettag $0x0;
	lr =	simm.s32 $0x1  }
0x2: {  	[smem:$0x3F9D] =	sst lr;
	_ =	strace $0xD0000000  }
0x3: {  	_ = 	snop  }
0x4: {  	_ = 	snop  }
0x5: {  	_ = 	snop  }
0x6: {  	_ = 	snop  }
0x7: {  	_ = 	snop  }
__scs_overlays_trampoline_lowered:
0x8: {  	[smem:$0x3FAC] =	sst s0  }
0x9: {  	[smem:$0x3FAD] =	sst s1  }
0xa: {  	[smem:$0x3FAE] =	sst s2  }
0xb: {  	[smem:$0x3FAF] =	sst s3  }
0xc: {  	[smem:$0x3FB0] =	sst s4  }
0xd: {  	[smem:$0x3FB1] =	sst s5  }
0xe: {  	[smem:$0x3FB2] =	sst s6  }
0xf: {  	[smem:$0x3FB3] =	sst s7  }
0x10: {  	[smem:$0x3FB4] =	sst s8  }
0x11: {  	[smem:$0x3FB5] =	sst s9;
	s0 =	simm.s32 @!p0 $0x0  }
0x12: {  	s1 =	sld [smem:$0x3F9B];
	s0 =	simm.s32 @p0 $0x1  }
0x13: {  	[smem:$0x3FB6] =	sst s0;
	s0 =	simm.s32 @!p1 $0x0  }
0x14: {  	s2 =	sld [smem:$0x3F9A];
	s0 =	simm.s32 @p1 $0x1  }
0x15: {  	[smem:$0x3FB7] =	sst s0;
	s0 =	simm.s32 @!p2 $0x0  }
0x16: {  	s3 =	sld [smem:$0x3FDB];
	s0 =	simm.s32 @p2 $0x1  }
0x17: {  	s4 =	simm.s32 $0x1BF5;
	[smem:$0x3FB9] =	sst s0  }
0x18: {  	s0 =	sld [smem:$0x3F9C];
	_ =	swait.ge [sflag:s4], $0x0  }
0x19: {  	s7 =	sld [smem:$0x3F9D]  }
0x1a: {  	s8 =	sadd.s32 $0xFFFFE003, lr  }
0x1b: {  	s9 =	sadd.s32 $0xFFFFFEF7, lr;
	s5 =	simm.s32 $0xFFFFFFFF;
	p2 =	slt.u32 s8, $0xFFFFF086  }
0x1c: {  	p1 =	slt.u32 s9, $0xF7A;
	s5 =	simm.s32 @!p2 $0x0  }
0x1d: {  	s5 =	simm.s32 @p1 $0x1;
	p0 =	seq.s32 s7, s2  }
0x1e: {  	s7 =	smul.u32 @!p0 $0xF7A, s2;
	p2 =	seq.s32 @!p0 s5, $0x0  }
0x1f: {  	s9 =	smul.u32 $0xF7A, s1;
	s8 =	simm.s32 @!p0 $0x1BF5;
	p2 =	por !p2, p0  }
0x20: {  	[sflag:s8] =	ssyncset.s32 @!p0 $0xFFFFF086;
	s6 =	sadd.s32 @!p0 s3, s7;
	s7 =	simm.s32 @!p0 $0x108  }
0x21: {  	s3 =	sadd.s32 s3, s9;
	s6 =	sadd.s32 @!p0 $0x88, s6;
	s7 =	simm.s32 @p2 $0x1082  }
0x22: {  	[simem:s7], [sflag:s8] =	dma.local @!p0 [hbm:s6], $0xF7A  }
0x23: {  	s9 =	sor.u32 $0xD0000000, s2;
	s6 =	simm.s32 $0x108;
	_ =	swait.ge @!p0 [sflag:s8], $0x0  }
0x24: {  	s3 =	sadd.s32 $0x88, s3;
	s6 =	simm.s32 @!p1 $0x1082;
	[sflag:s4] =	ssyncset.s32 $0xFFFFF086  }
0x25: {  	[simem:s6], [sflag:s4] =	dma.local [hbm:s3], $0xF7A  }
0x26: {  	[smem:$0x3F9D] =	sst s1;
	(tag) =	ssettag s2;
	_ =	strace s9  }
0x27: {  	s1 =	sld [smem:$0x3FAD]  }
0x28: {  	s2 =	sld [smem:$0x3FAE]  }
0x29: {  	s4 =	sld [smem:$0x3FB0]  }
0x2a: {  	p0 =	seq.s32 s5, $0x0;
	s5 =	sld [smem:$0x3FB1]  }
0x2b: {  	s6 =	sld [smem:$0x3FB2]  }
0x2c: {  	s7 =	sld [smem:$0x3FB3]  }
0x2d: {  	s3 =	simm.s32 $0x108;
	s8 =	sld [smem:$0x3FB4]  }
0x2e: {  	s3 =	simm.s32 @!p0 $0x1082;
	s9 =	sld [smem:$0x3FB5]  }
0x2f: {  	lr =	sadd.s32 s0, s3;
	s0 =	sld [smem:$0x3FAC]  }
0x30: {  	s3 =	sld [smem:$0x3FAF]  }
0x31: {  	[smem:$0x3FB8] =	sst s10  }
0x32: {  	s10 =	sld [smem:$0x3FB6];
	_ =	sdelay $0x3  }
0x33: {  	p0 =	seq.s32 s10, $0x1;
	s10 =	sld [smem:$0x3FB8];
	_ =	sdelay $0x3  }
0x34: {  	[smem:$0x3FB8] =	sst s10  }
0x35: {  	s10 =	sld [smem:$0x3FB7];
	_ =	sdelay $0x3  }
0x36: {  	p1 =	seq.s32 s10, $0x1;
	s10 =	sld [smem:$0x3FB8];
	_ =	sdelay $0x3  }
0x37: {  	[smem:$0x3FB8] =	sst s10  }
0x38: {  	s10 =	sld [smem:$0x3FB9]  }
0x39: {  	_ = 	snop;
	(pc) =	sbr.ind lr, $3  }
0x3a: {  	_ = 	snop  }
0x3b: {  	_ = 	snop  }
0x3c: {  	p2 =	seq.s32 s10, $0x1;
	s10 =	sld [smem:$0x3FB8]  }
0x3d: {  	_ =	shalt  }
0x3e: {  	_ =	shalt  }
0x3f: {  	_ =	shalt  }
0x40: {  	_ =	shalt  }
0x41: {  	_ =	shalt  }
0x42: {  	_ =	shalt  }
0x43: {  	_ =	shalt  }
0x44: {  	_ =	shalt  }
0x45: {  	_ =	shalt  }
0x46: {  	_ =	shalt  }
0x47: {  	_ =	shalt  }
0x48: {  	_ =	shalt  }
0x49: {  	_ =	shalt  }
0x4a: {  	_ =	shalt  }
0x4b: {  	_ =	shalt  }
0x4c: {  	_ =	shalt  }
0x4d: {  	_ =	shalt  }
0x4e: {  	_ =	shalt  }
0x4f: {  	_ =	shalt  }
0x50: {  	_ =	shalt  }
0x51: {  	_ =	shalt  }
0x52: {  	_ =	shalt  }
0x53: {  	_ =	shalt  }
0x54: {  	_ =	shalt  }
0x55: {  	_ =	shalt  }
0x56: {  	_ =	shalt  }
0x57: {  	_ =	shalt  }
0x58: {  	_ =	shalt  }
0x59: {  	_ =	shalt  }
0x5a: {  	_ =	shalt  }
0x5b: {  	_ =	shalt  }
0x5c: {  	_ =	shalt  }
0x5d: {  	_ =	shalt  }
0x5e: {  	_ =	shalt  }
0x5f: {  	_ =	shalt  }
0x60: {  	_ =	shalt  }
0x61: {  	_ =	shalt  }
0x62: {  	_ =	shalt  }
0x63: {  	_ =	shalt  }
0x64: {  	_ =	shalt  }
0x65: {  	_ =	shalt  }
0x66: {  	_ =	shalt  }
0x67: {  	_ =	shalt  }
0x68: {  	_ =	shalt  }
0x69: {  	_ =	shalt  }
0x6a: {  	_ =	shalt  }
0x6b: {  	_ =	shalt  }
0x6c: {  	_ =	shalt  }
0x6d: {  	_ =	shalt  }
0x6e: {  	_ =	shalt  }
0x6f: {  	_ =	shalt  }
0x70: {  	_ =	shalt  }
0x71: {  	_ =	shalt  }
0x72: {  	_ =	shalt  }
0x73: {  	_ =	shalt  }
0x74: {  	_ =	shalt  }
0x75: {  	_ =	shalt  }
0x76: {  	_ =	shalt  }
0x77: {  	_ =	shalt  }
0x78: {  	_ =	shalt  }
0x79: {  	_ =	shalt  }
0x7a: {  	_ =	shalt  }
0x7b: {  	_ =	shalt  }
0x7c: {  	_ =	shalt  }
0x7d: {  	_ =	shalt  }
0x7e: {  	_ =	shalt  }
0x7f: {  	_ =	shalt  }
0x80: {  	_ =	shalt  }
0x81: {  	_ =	shalt  }
0x82: {  	_ =	shalt  }
0x83: {  	_ =	shalt  }
0x84: {  	_ =	shalt  }
0x85: {  	_ =	shalt  }
0x86: {  	_ =	shalt  }
0x87: {  	_ =	shalt  }
.Lfunc_end0:
.L_simem_size_0:
called_computation_lowered:
.L_overlay_start_0:
0x88: {  	s2 =	sld [smem:$0x3FD9]  }
0x89: {  	s3 =	sld [smem:$0x3FFE];
	_ =	sdelay $0x1  }
0x8a: {  	s1 =	srdreg.scid  }
0x8b: {  	s0 =	sand.u32 $0x1, s1  }
0x8c: {  	s17 =	sshll.u32 s0, $0xA;
	s2 =	sadd.s32 s3, s2  }
0x8d: {  	s2 =	sadd.s32 s2, s17  }
0x8e: {  	[smem:$0x3FC4] =	sst s2  }
0x8f: {  	_ = 	snop  }
0x90: {  	s2 =	sld [smem:$0x3FD0];
	(tm) =	ssettm $0x1  }
0x91: {  	s18 =	sld [smem:$0x3FFB];
	_ =	sdelay $0x3  }
0x92: {  	_ =	strace s18  }
0x93: {  	s3 =	sld [smem:$0x3FFC];
	_ =	sdelay $0x3  }
0x94: {  	_ =	strace s3  }
0x95: {  	s3 =	sld [smem:$0x3FFD];
	_ =	sdelay $0x3  }
0x96: {  	_ =	strace s3  }
0x97: {  	_ =	strace $0x8FFFFFFF  }
0x98: {  	s19 =	sld [smem:$0x3FDB];
	_ =	sdelay $0x1  }
0x99: {  	s4 =	simm.s32 $_scs_section_size  }
0x9a: {  	s5 =	simm.s32 $_size__tile_overlayer_lowered;
	s6 =	simm.s32 $_tile_overlayer_lowered  }
0x9b: {  	s22 =	simm.s32 $0x1BFF;
	s21 =	sshll.u32 s6, $0x1;
	s3 =	sadd.s32 s4, s19  }
0x9c: {  	s7 =	simm.s32 $0x0;
	s20 =	sshll.u32 s5, $0x1;
	s5 =	sadd.s32 s21, s3  }
0x9d: {  	[timem:s7], [sflag:s22] =	dma.local [hbm:s5], s20  }
0x9e: {  	_ =	swait.ge [sflag:s22], s20  }
0x9f: {  	s4 =	ssub.s32 $0x0, s20;
	[sflag:s22] =	ssyncset.done $0x0  }
0xa0: {  	[sflag:s22] =	ssyncadd.s32 s4;
	_ =	sdelay $0x1  }
0xa1: {  	s23 =	simm.s32 $0x1B8B  }
0xa2: {  	_ =	swait.ge [sflag:s23], $0x1  }
0xa3: {  	[sflag:s23] =	ssyncset.done $0x0  }
0xa4: {  	s25 =	simm.s32 $0x1B8E;
	s24 =	sld [smem:$0x3FFE];
	[sflag:s23] =	ssyncadd.s32 $0xFFFFFFFF  }
0xa5: {  	s26 =	simm.s32 $execute0_lowered;
	[smem:$0x3FD2] =	sst s25  }
0xa6: {  	s5 =	sshll.u32 s26, $0x1;
	_ =	strace $0x80000046;
	[dreg:$0x1] =	wrdreg $0xFFFFFFFF  }
0xa7: {  	s28 =	simm.s32 $_size_execute0_lowered;
	s3 =	sadd.s32 s3, s5;
	[dreg:$0x0] =	wrdreg $0x0  }
0xa8: {  	s5 =	sshll.u32 s28, $0x1;
	[dreg:$0x2] =	wrdreg s3  }
0xa9: {  	[dreg:$0x3] =	wrdreg s5  }
0xaa: {  	[dreg:$0x4] =	wrdreg $0xC0  }
0xab: {  	_ =	task [dreg:s7], $0x5FFFF  }
0xac: {  	[dreg:$0x1] =	wrdreg $0xFFFFFFFF  }
0xad: {  	[dreg:$0x0] =	wrdreg $0x60  }
0xae: {  	[dreg:$0x2] =	wrdreg s24  }
0xaf: {  	[dreg:$0x3] =	wrdreg s2  }
0xb0: {  	[dreg:$0x4] =	wrdreg $0x2B000  }
0xb1: {  	[dreg:$0x5] =	wrdreg $0x9  }
0xb2: {  	_ =	task.clear_ibuf [dreg:s7], $0x6FFFF;
	_ =	strace $0x90000046  }
0xb3: {  	s29 =	simm.s32 $0x9;
	_ =	strace $0x80000048  }
0xb4: {  	_ =	swait.ge [sflag:s29], $0x1  }
0xb5: {  	[sflag:s29] =	ssyncadd.s32 $0xFFFFFFFF  }
0xb6: {  	_ =	strace $0x90000048  }
0xb7: {  	_ =	sfence  }
0xb8: {  	s30 =	sld [smem:$0x0];
	_ =	sdelay $0x2  }
0xb9: {  	s31 =	sshll.u32 s1, $0xD;
	s1 =	sshrl.u32 s1, $0x2  }
0xba: {  	s3 =	sand.u32 $0x4000, s31;
	s1 =	sadd.s32 s1, s30  }
0xbb: {  	s0 =	sor.u32 s3, s0;
	s1 =	sshll.u32 s1, $0x11  }
0xbc: {  	s0 =	sor.u32 s1, s0  }
0xbd: {  	s0 =	sadd.s32 $0x8F2B, s0  }
0xbe: {  	[sflag:s0] =	ssyncadd.remote.s32 $0x1  }
0xbf: {  	_ =	sfence.sel $0xFFFF  }
0xc0: {  	[dreg:$0x0] =	wrdreg $0xFFFFFFFF;
	(pc) =	sbr.abs _section_cstart, $3  }
0xc1: {  	[dreg:$0x1] =	wrdreg $0xFFFFFFFF  }
0xc2: {  	_ =	task.clear_ibuf [dreg:s7], $0x2FFFF;
	_ =	strace $0x9FFFFFFF  }
0xc3: {  	(tm) =	ssettm $0x7FFFFFFF  }
tec
execute0_lowered:
.L_overlay_start_1:
0x0: {  	(tag) =	ssettag $0x1  }
0x1: {  	s4 =	rddreg [dreg:$0x0]  }
0x2: {  	s6 =	rddreg [dreg:$0x1]  }
0x3: {  	s0 =	srdreg.scid;
	s2 =	rddreg [dreg:$0x2]  }
0x4: {  	s3 =	simm.s32 $0x0;
	s5 =	sand.u32 $0x1, s0;
	s0 =	stileid.u32  }
0x5: {  	s11 =	simm.s32 $0x2800;
	s14 =	simm.s32 $0x0;
	s8 =	smul.u32 $0x280, s0  }
0x6: {  	[smem:$0x7FF] =	sst s3;
	s1 =	sshll.u32 s5, $0x4;
	s9 =	smul.u32 $0x2800, s5  }
0x7: {  	s5 =	ssub.s32 $0x2, s5;
	s12 =	sshll.u32 s0, $0x6;
	s7 =	sor.u32 s0, s1  }
0x8: {  	s1 =	rddreg [dreg:$0x3];
	_ =	strace $0x80000047;
	s7 =	smul.u32 $0x2800, s7  }
0x9: {  	s10 =	sshrl.u32 s5, $0x1;
	s12 =	sor.u32 $0x1C01, s12;
	s9 =	sadd.s32 s8, s9  }
0xa: {  	s10 =	ssub.s32 s5, s10;
	s31 =	sshrl.u32 s9, $0x3;
	s7 =	sshrl.u32 s7, $0x3  }
0xb: {  	s9 =	simm.s32 $0x1;
	s6 =	sadd.s32 s6, s31;
	s30 =	sadd.s32 s4, s7  }
0xc: {  	s4 =	sadd.s32 s8, s2;
	s7 =	smax.u32 s10, $0x1;
	s8 =	simm.s32 $0x2880  }
0xd: {  	v0 =	vimm.f32 $1.000000000e+00;
	v1 =	vimm.f32 $0.0e+00;
	s10 =	simm.s32 $0x7D;
	s5 =	sadd.s32 $0xC400, s30;
	s13 =	sshrl.u32 s4, $0x3  }
.LBB2_1:
0xe: {  	[tilespmem:$0x2800] =	vst v0  }
0xf: {  	[tilespmem:$0x2810] =	vst v0  }
0x10: {  	[tilespmem:$0x2820] =	vst v0  }
0x11: {  	[tilespmem:$0x2830] =	vst v0  }
0x12: {  	[tilespmem:$0x2840] =	vst v0  }
0x13: {  	[tilespmem:$0x2850] =	vst v0  }
0x14: {  	[tilespmem:$0x2860] =	vst v0  }
0x15: {  	[tilespmem:$0x2870] =	vst v0  }
0x16: {  	[tilespmem:$0x2880] =	vst v1  }
0x17: {  	[tilespmem:$0x2890] =	vst v1  }
0x18: {  	[tilespmem:$0x28A0] =	vst v1  }
0x19: {  	[tilespmem:$0x28B0] =	vst v1  }
0x1a: {  	[tilespmem:$0x28C0] =	vst v1  }
0x1b: {  	[tilespmem:$0x28D0] =	vst v1  }
0x1c: {  	[tilespmem:$0x28E0] =	vst v1  }
0x1d: {  	[tilespmem:$0x28F0] =	vst v1  }
0x1e: {  	[tilespmem:$0x2900] =	vst v1  }
0x1f: {  	[tilespmem:$0x2910] =	vst v1  }
0x20: {  	[tilespmem:$0x2920] =	vst v1  }
0x21: {  	[tilespmem:$0x2930] =	vst v1  }
0x22: {  	[tilespmem:$0x2940] =	vst v1  }
0x23: {  	[tilespmem:$0x2950] =	vst v1  }
0x24: {  	[tilespmem:$0x2960] =	vst v1  }
0x25: {  	[tilespmem:$0x2970] =	vst v1  }
0x26: {  	[tilespmem:$0x2980] =	vst v1  }
0x27: {  	[tilespmem:$0x2990] =	vst v1  }
0x28: {  	[tilespmem:$0x29A0] =	vst v1  }
0x29: {  	[tilespmem:$0x29B0] =	vst v1  }
0x2a: {  	[tilespmem:$0x29C0] =	vst v1  }
0x2b: {  	[tilespmem:$0x29D0] =	vst v1  }
0x2c: {  	[tilespmem:$0x29E0] =	vst v1  }
0x2d: {  	[tilespmem:$0x29F0] =	vst v1  }
0x2e: {  	[tilespmem:$0x2A00] =	vst v1  }
0x2f: {  	[tilespmem:$0x2A10] =	vst v1  }
0x30: {  	[tilespmem:$0x2A20] =	vst v1  }
0x31: {  	[tilespmem:$0x2A30] =	vst v1  }
0x32: {  	[tilespmem:$0x2A40] =	vst v1  }
0x33: {  	[tilespmem:$0x2A50] =	vst v1  }
0x34: {  	[tilespmem:$0x2A60] =	vst v1  }
0x35: {  	[tilespmem:$0x2A70] =	vst v1  }
0x36: {  	[tilespmem:$0x2A80] =	vst v1  }
0x37: {  	[tilespmem:$0x2A90] =	vst v1  }
0x38: {  	[tilespmem:$0x2AA0] =	vst v1  }
0x39: {  	[tilespmem:$0x2AB0] =	vst v1  }
0x3a: {  	[tilespmem:$0x2AC0] =	vst v1  }
0x3b: {  	[tilespmem:$0x2AD0] =	vst v1  }
0x3c: {  	[tilespmem:$0x2AE0] =	vst v1  }
0x3d: {  	[tilespmem:$0x2AF0] =	vst v1  }
0x3e: {  	[spmem:s4] =	stream.linear.scatter [tilespmem:s8], [sflag:$0x1], $0x280, $0x38;
	[tilespmem:$0x2D80] =	vst v63  }
0x3f: {  	_ =	swait.ge [sflag:s9], $0x280  }
0x40: {  	[sflag:s9] =	ssyncset.done $0x0  }
0x41: {  	[sflag:s9] =	ssyncadd.s32 $0xFFFFFD80  }
0x42: {  	[tilespmem:s3], [sflag:$0x1] =	stream.linear.gather [hbm4b:s5+s3], $0x2800, $0x38;
	[tilespmem:$0x2D80] =	vst v63  }
0x43: {  	_ =	swait.ge [sflag:s9], $0x2800  }
0x44: {  	[sflag:s9] =	ssyncset.done $0x0  }
0x45: {  	[sflag:s9] =	ssyncadd.s32 $0xFFFFD800  }
0x46: {  	s15 =	simm.s32 $0x0;
	[bflag:$0x0] =	sbarrier.arrive $0xFFFF  }
0x47: {  	[spmem:s2] =	stream.indirect.scatter.add.f32 [tilespmem:s11], [sflag:$0x1], $0x1, s15, s10, $0xb8;
	[tilespmem:$0x2D80] =	vst v63  }
0x48: {  	_ =	swait.ge [sflag:s9], $0x7D  }
0x49: {  	s15 =	simm.s32 $0x200;
	[sflag:s9] =	ssyncset.done $0x0  }
.LBB2_2:
0x4a: {  	s16 =	sshra.s32 s15, $0x2;
	[sflag:s9] =	ssyncadd.s32 $0xFFFFFF83;
	p0 =	sne.s32 s15, $0x9E00  }
0x4b: {  	[spmem:s2] =	stream.indirect.scatter.add.f32 [tilespmem:s11], [sflag:$0x1], $0x1, s16, s10, $0xb8;
	[tilespmem:$0x2D80] =	vst v63  }
.Ltmp0:
0x4c: {  	_ = 	snop;
	(pc) =	sbr.rel @p0 .LBB2_2-.Ltmp0, $4  }
0x4d: {  	_ = 	snop  }
0x4e: {  	s15 =	sadd.s32 $0x200, s15  }
0x4f: {  	_ =	swait.ge [sflag:s9], $0x7D  }
0x50: {  	[sflag:s9] =	ssyncset.done $0x0  }
0x51: {  	s14 =	sadd.s32 $0x1, s14  }
0x52: {  	[sflag:s9] =	ssyncadd.s32 $0xFFFFFF83;
	p0 =	sne.s32 s14, s7  }
.Ltmp1:
0x53: {  	[bflag:$0x0] =	sbarrier.arrive $0xFFFF;
	(pc) =	sbr.rel @p0 .LBB2_1-.Ltmp1, $4  }
0x54: {  	[hbm:s6], [sflag:s12] =	dma.local [spmem:s13], $0x50  }
0x55: {  	_ =	swait.ge [sflag:s9], $0x50  }
0x56: {  	[sflag:s9] =	ssyncset.done $0x0  }
0x57: {  	[sflag:s9] =	ssyncadd.s32 $0xFFFFFFB0  }
0x58: {  	_ =	sfence.sel $0x180000  }
0x59: {  	[bflag:$0x0] =	sbarrier.arrive $0xFFFF  }
0x5a: {  	p0 =	sne.s32 s0, $0x0;
	_ =	strace $0x90000047  }
0x5b: {  	s0 =	sadd.s32 @!p0 $0x100000, s1;
	[bflag:$0x2] =	sbarrier.arrive $0xFFFF  }
0x5c: {  	[sflag:s0] =	ssyncadd.tile.s32 @!p0 $0x1;
	_ =	shalt  }
.Lfunc_end2:
_tile_overlayer_lowered:
.L_overlay_start_2:
0x5d: {  	(tag) =	ssettag $0x2  }
0x5e: {  	s0 =	rddreg [dreg:$0x0];
	s2 =	stileid.u32  }
0x5f: {  	s1 =	rddreg [dreg:$0x1];
	p0 =	sne.s32 s2, $0x0  }
0x60: {  	s3 =	rddreg [dreg:$0x2];
	[bflag:$0x3] =	sbarrier.arrive $0xFFFF;
	s2 =	simm.s32 @!p0 $0x1C01  }
0x61: {  	[timem:s3], [sflag:s2] =	dma.local @!p0 [hbm:s0], s1  }
0x62: {  	s0 =	simm.s32 @!p0 $0x1  }
0x63: {  	_ =	swait.ge @!p0 [sflag:s0], s1  }
0x64: {  	s1 =	ssub.s32 @!p0 $0x0, s1;
	[sflag:s0] =	ssyncset.done @!p0 $0x0  }
0x65: {  	[sflag:s0] =	ssyncadd.s32 @!p0 s1  }
0x66: {  	[bflag:$0x3] =	sbarrier.arrive $0xFFFF  }
0x67: {  	_ =	shalt  }

// kernel: kernel.9.cloned.1.call-start
scs
__scs_entry_jumppad:
0x0: {  	(pc) =	sbr.rel $0x88, $3  }
0x1: {  	(tag) =	ssettag $0x0;
	lr =	simm.s32 $0x1  }
0x2: {  	[smem:$0x3F9D] =	sst lr;
	_ =	strace $0xD0000000  }
0x3: {  	_ = 	snop  }
0x4: {  	_ = 	snop  }
0x5: {  	_ = 	snop  }
0x6: {  	_ = 	snop  }
0x7: {  	_ = 	snop  }
__scs_overlays_trampoline_lowered:
0x8: {  	[smem:$0x3FAC] =	sst s0  }
0x9: {  	[smem:$0x3FAD] =	sst s1  }
0xa: {  	[smem:$0x3FAE] =	sst s2  }
0xb: {  	[smem:$0x3FAF] =	sst s3  }
0xc: {  	[smem:$0x3FB0] =	sst s4  }
0xd: {  	[smem:$0x3FB1] =	sst s5  }
0xe: {  	[smem:$0x3FB2] =	sst s6  }
0xf: {  	[smem:$0x3FB3] =	sst s7  }
0x10: {  	[smem:$0x3FB4] =	sst s8  }
0x11: {  	[smem:$0x3FB5] =	sst s9;
	s0 =	simm.s32 @!p0 $0x0  }
0x12: {  	s1 =	sld [smem:$0x3F9B];
	s0 =	simm.s32 @p0 $0x1  }
0x13: {  	[smem:$0x3FB6] =	sst s0;
	s0 =	simm.s32 @!p1 $0x0  }
0x14: {  	s2 =	sld [smem:$0x3F9A];
	s0 =	simm.s32 @p1 $0x1  }
0x15: {  	[smem:$0x3FB7] =	sst s0;
	s0 =	simm.s32 @!p2 $0x0  }
0x16: {  	s3 =	sld [smem:$0x3FDB];
	s0 =	simm.s32 @p2 $0x1  }
0x17: {  	s4 =	simm.s32 $0x1BF5;
	[smem:$0x3FB9] =	sst s0  }
0x18: {  	s0 =	sld [smem:$0x3F9C];
	_ =	swait.ge [sflag:s4], $0x0  }
0x19: {  	s7 =	sld [smem:$0x3F9D]  }
0x1a: {  	s8 =	sadd.s32 $0xFFFFE003, lr  }
0x1b: {  	s9 =	sadd.s32 $0xFFFFFEF7, lr;
	s5 =	simm.s32 $0xFFFFFFFF;
	p2 =	slt.u32 s8, $0xFFFFF086  }
0x1c: {  	p1 =	slt.u32 s9, $0xF7A;
	s5 =	simm.s32 @!p2 $0x0  }
0x1d: {  	s5 =	simm.s32 @p1 $0x1;
	p0 =	seq.s32 s7, s2  }
0x1e: {  	s7 =	smul.u32 @!p0 $0xF7A, s2;
	p2 =	seq.s32 @!p0 s5, $0x0  }
0x1f: {  	s9 =	smul.u32 $0xF7A, s1;
	s8 =	simm.s32 @!p0 $0x1BF5;
	p2 =	por !p2, p0  }
0x20: {  	[sflag:s8] =	ssyncset.s32 @!p0 $0xFFFFF086;
	s6 =	sadd.s32 @!p0 s3, s7;
	s7 =	simm.s32 @!p0 $0x108  }
0x21: {  	s3 =	sadd.s32 s3, s9;
	s6 =	sadd.s32 @!p0 $0x88, s6;
	s7 =	simm.s32 @p2 $0x1082  }
0x22: {  	[simem:s7], [sflag:s8] =	dma.local @!p0 [hbm:s6], $0xF7A  }
0x23: {  	s9 =	sor.u32 $0xD0000000, s2;
	s6 =	simm.s32 $0x108;
	_ =	swait.ge @!p0 [sflag:s8], $0x0  }
0x24: {  	s3 =	sadd.s32 $0x88, s3;
	s6 =	simm.s32 @!p1 $0x1082;
	[sflag:s4] =	ssyncset.s32 $0xFFFFF086  }
0x25: {  	[simem:s6], [sflag:s4] =	dma.local [hbm:s3], $0xF7A  }
0x26: {  	[smem:$0x3F9D] =	sst s1;
	(tag) =	ssettag s2;
	_ =	strace s9  }
0x27: {  	s1 =	sld [smem:$0x3FAD]  }
0x28: {  	s2 =	sld [smem:$0x3FAE]  }
0x29: {  	s4 =	sld [smem:$0x3FB0]  }
0x2a: {  	p0 =	seq.s32 s5, $0x0;
	s5 =	sld [smem:$0x3FB1]  }
0x2b: {  	s6 =	sld [smem:$0x3FB2]  }
0x2c: {  	s7 =	sld [smem:$0x3FB3]  }
0x2d: {  	s3 =	simm.s32 $0x108;
	s8 =	sld [smem:$0x3FB4]  }
0x2e: {  	s3 =	simm.s32 @!p0 $0x1082;
	s9 =	sld [smem:$0x3FB5]  }
0x2f: {  	lr =	sadd.s32 s0, s3;
	s0 =	sld [smem:$0x3FAC]  }
0x30: {  	s3 =	sld [smem:$0x3FAF]  }
0x31: {  	[smem:$0x3FB8] =	sst s10  }
0x32: {  	s10 =	sld [smem:$0x3FB6];
	_ =	sdelay $0x3  }
0x33: {  	p0 =	seq.s32 s10, $0x1;
	s10 =	sld [smem:$0x3FB8];
	_ =	sdelay $0x3  }
0x34: {  	[smem:$0x3FB8] =	sst s10  }
0x35: {  	s10 =	sld [smem:$0x3FB7];
	_ =	sdelay $0x3  }
0x36: {  	p1 =	seq.s32 s10, $0x1;
	s10 =	sld [smem:$0x3FB8];
	_ =	sdelay $0x3  }
0x37: {  	[smem:$0x3FB8] =	sst s10  }
0x38: {  	s10 =	sld [smem:$0x3FB9]  }
0x39: {  	_ = 	snop;
	(pc) =	sbr.ind lr, $3  }
0x3a: {  	_ = 	snop  }
0x3b: {  	_ = 	snop  }
0x3c: {  	p2 =	seq.s32 s10, $0x1;
	s10 =	sld [smem:$0x3FB8]  }
0x3d: {  	_ =	shalt  }
0x3e: {  	_ =	shalt  }
0x3f: {  	_ =	shalt  }
0x40: {  	_ =	shalt  }
0x41: {  	_ =	shalt  }
0x42: {  	_ =	shalt  }
0x43: {  	_ =	shalt  }
0x44: {  	_ =	shalt  }
0x45: {  	_ =	shalt  }
0x46: {  	_ =	shalt  }
0x47: {  	_ =	shalt  }
0x48: {  	_ =	shalt  }
0x49: {  	_ =	shalt  }
0x4a: {  	_ =	shalt  }
0x4b: {  	_ =	shalt  }
0x4c: {  	_ =	shalt  }
0x4d: {  	_ =	shalt  }
0x4e: {  	_ =	shalt  }
0x4f: {  	_ =	shalt  }
0x50: {  	_ =	shalt  }
0x51: {  	_ =	shalt  }
0x52: {  	_ =	shalt  }
0x53: {  	_ =	shalt  }
0x54: {  	_ =	shalt  }
0x55: {  	_ =	shalt  }
0x56: {  	_ =	shalt  }
0x57: {  	_ =	shalt  }
0x58: {  	_ =	shalt  }
0x59: {  	_ =	shalt  }
0x5a: {  	_ =	shalt  }
0x5b: {  	_ =	shalt  }
0x5c: {  	_ =	shalt  }
0x5d: {  	_ =	shalt  }
0x5e: {  	_ =	shalt  }
0x5f: {  	_ =	shalt  }
0x60: {  	_ =	shalt  }
0x61: {  	_ =	shalt  }
0x62: {  	_ =	shalt  }
0x63: {  	_ =	shalt  }
0x64: {  	_ =	shalt  }
0x65: {  	_ =	shalt  }
0x66: {  	_ =	shalt  }
0x67: {  	_ =	shalt  }
0x68: {  	_ =	shalt  }
0x69: {  	_ =	shalt  }
0x6a: {  	_ =	shalt  }
0x6b: {  	_ =	shalt  }
0x6c: {  	_ =	shalt  }
0x6d: {  	_ =	shalt  }
0x6e: {  	_ =	shalt  }
0x6f: {  	_ =	shalt  }
0x70: {  	_ =	shalt  }
0x71: {  	_ =	shalt  }
0x72: {  	_ =	shalt  }
0x73: {  	_ =	shalt  }
0x74: {  	_ =	shalt  }
0x75: {  	_ =	shalt  }
0x76: {  	_ =	shalt  }
0x77: {  	_ =	shalt  }
0x78: {  	_ =	shalt  }
0x79: {  	_ =	shalt  }
0x7a: {  	_ =	shalt  }
0x7b: {  	_ =	shalt  }
0x7c: {  	_ =	shalt  }
0x7d: {  	_ =	shalt  }
0x7e: {  	_ =	shalt  }
0x7f: {  	_ =	shalt  }
0x80: {  	_ =	shalt  }
0x81: {  	_ =	shalt  }
0x82: {  	_ =	shalt  }
0x83: {  	_ =	shalt  }
0x84: {  	_ =	shalt  }
0x85: {  	_ =	shalt  }
0x86: {  	_ =	shalt  }
0x87: {  	_ =	shalt  }
.Lfunc_end0:
.L_simem_size_0:
called_computation.1_lowered:
.L_overlay_start_0:
0x88: {  	s2 =	sld [smem:$0x3FD9]  }
0x89: {  	s3 =	sld [smem:$0x3FFE];
	_ =	sdelay $0x1  }
0x8a: {  	s1 =	srdreg.scid  }
0x8b: {  	s0 =	sand.u32 $0x1, s1  }
0x8c: {  	s17 =	sshll.u32 s0, $0xA;
	s2 =	sadd.s32 s3, s2  }
0x8d: {  	s2 =	sadd.s32 s2, s17  }
0x8e: {  	[smem:$0x3FC4] =	sst s2  }
0x8f: {  	_ = 	snop  }
0x90: {  	s2 =	sld [smem:$0x3FD0];
	(tm) =	ssettm $0x1  }
0x91: {  	s18 =	sld [smem:$0x3FFB];
	_ =	sdelay $0x3  }
0x92: {  	_ =	strace s18  }
0x93: {  	s3 =	sld [smem:$0x3FFC];
	_ =	sdelay $0x3  }
0x94: {  	_ =	strace s3  }
0x95: {  	s3 =	sld [smem:$0x3FFD];
	_ =	sdelay $0x3  }
0x96: {  	_ =	strace s3  }
0x97: {  	_ =	strace $0x8FFFFFFF  }
0x98: {  	s19 =	sld [smem:$0x3FDB];
	_ =	sdelay $0x1  }
0x99: {  	s4 =	simm.s32 $_scs_section_size  }
0x9a: {  	s5 =	simm.s32 $_size__tile_overlayer_lowered;
	s6 =	simm.s32 $_tile_overlayer_lowered  }
0x9b: {  	s22 =	simm.s32 $0x1BFF;
	s21 =	sshll.u32 s6, $0x1;
	s3 =	sadd.s32 s4, s19  }
0x9c: {  	s7 =	simm.s32 $0x0;
	s20 =	sshll.u32 s5, $0x1;
	s5 =	sadd.s32 s21, s3  }
0x9d: {  	[timem:s7], [sflag:s22] =	dma.local [hbm:s5], s20  }
0x9e: {  	_ =	swait.ge [sflag:s22], s20  }
0x9f: {  	s4 =	ssub.s32 $0x0, s20;
	[sflag:s22] =	ssyncset.done $0x0  }
0xa0: {  	[sflag:s22] =	ssyncadd.s32 s4;
	_ =	sdelay $0x1  }
0xa1: {  	s23 =	simm.s32 $0x1B8B  }
0xa2: {  	_ =	swait.ge [sflag:s23], $0x1  }
0xa3: {  	[sflag:s23] =	ssyncset.done $0x0  }
0xa4: {  	s25 =	simm.s32 $0x1B8E;
	s24 =	sld [smem:$0x3FFE];
	[sflag:s23] =	ssyncadd.s32 $0xFFFFFFFF  }
0xa5: {  	s26 =	simm.s32 $execute0_lowered;
	[smem:$0x3FD2] =	sst s25  }
0xa6: {  	s5 =	sshll.u32 s26, $0x1;
	_ =	strace $0x80000049;
	[dreg:$0x1] =	wrdreg $0xFFFFFFFF  }
0xa7: {  	s28 =	simm.s32 $_size_execute0_lowered;
	s3 =	sadd.s32 s3, s5;
	[dreg:$0x0] =	wrdreg $0x0  }
0xa8: {  	s5 =	sshll.u32 s28, $0x1;
	[dreg:$0x2] =	wrdreg s3  }
0xa9: {  	[dreg:$0x3] =	wrdreg s5  }
0xaa: {  	[dreg:$0x4] =	wrdreg $0xC0  }
0xab: {  	_ =	task [dreg:s7], $0x5FFFF  }
0xac: {  	[dreg:$0x1] =	wrdreg $0xFFFFFFFF  }
0xad: {  	[dreg:$0x0] =	wrdreg $0x60  }
0xae: {  	[dreg:$0x2] =	wrdreg s2  }
0xaf: {  	[dreg:$0x3] =	wrdreg s24  }
0xb0: {  	[dreg:$0x4] =	wrdreg $0xA8000  }
0xb1: {  	[dreg:$0x5] =	wrdreg $0x9  }
0xb2: {  	_ =	task.clear_ibuf [dreg:s7], $0x6FFFF;
	_ =	strace $0x90000049  }
0xb3: {  	s29 =	simm.s32 $0x9;
	_ =	strace $0x8000004B  }
0xb4: {  	_ =	swait.ge [sflag:s29], $0x1  }
0xb5: {  	[sflag:s29] =	ssyncadd.s32 $0xFFFFFFFF  }
0xb6: {  	_ =	strace $0x9000004B  }
0xb7: {  	_ =	sfence  }
0xb8: {  	s30 =	sld [smem:$0x0];
	_ =	sdelay $0x2  }
0xb9: {  	s31 =	sshll.u32 s1, $0xD;
	s1 =	sshrl.u32 s1, $0x2  }
0xba: {  	s3 =	sand.u32 $0x4000, s31;
	s1 =	sadd.s32 s1, s30  }
0xbb: {  	s0 =	sor.u32 s3, s0;
	s1 =	sshll.u32 s1, $0x11  }
0xbc: {  	s0 =	sor.u32 s1, s0  }
0xbd: {  	s0 =	sadd.s32 $0x8F2B, s0  }
0xbe: {  	[sflag:s0] =	ssyncadd.remote.s32 $0x1  }
0xbf: {  	_ =	sfence.sel $0xFFFF  }
0xc0: {  	[dreg:$0x0] =	wrdreg $0xFFFFFFFF;
	(pc) =	sbr.abs _section_cstart, $3  }
0xc1: {  	[dreg:$0x1] =	wrdreg $0xFFFFFFFF  }
0xc2: {  	_ =	task.clear_ibuf [dreg:s7], $0x2FFFF;
	_ =	strace $0x9FFFFFFF  }
0xc3: {  	(tm) =	ssettm $0x7FFFFFFF  }
tec
execute0_lowered:
.L_overlay_start_1:
0x0: {  	(tag) =	ssettag $0x1  }
0x1: {  	s1 =	rddreg [dreg:$0x0]  }
0x2: {  	s14 =	rddreg [dreg:$0x1]  }
0x3: {  	s2 =	rddreg [dreg:$0x2]  }
0x4: {  	s0 =	rddreg [dreg:$0x3];
	s4 =	simm.s32 $0x0;
	s5 =	srdreg.scid  }
0x5: {  	s3 =	stileid.u32;
	s16 =	simm.s32 $0x66400;
	s18 =	simm.s32 $0x1400  }
0x6: {  	s19 =	simm.s32 $0x7D;
	s20 =	simm.s32 $0x6800;
	s21 =	simm.s32 $0x1  }
0x7: {  	s22 =	simm.s32 $0x2;
	s23 =	simm.s32 $0x1380;
	s24 =	simm.s32 $0x2700  }
0x8: {  	s25 =	simm.s32 $0x2780;
	[smem:$0x7FF] =	sst s4;
	s6 =	smul.u32 $0x50000, s3  }
0x9: {  	s11 =	sand.u32 $0x1, s5;
	s12 =	sadd.s32 $0x2400, s14;
	s17 =	smul.u32 $0x2800, s3  }
0xa: {  	_ =	strace $0x8000004A;
	s5 =	sshll.u32 s11, $0x4;
	s7 =	ssub.s32 $0x2, s11  }
0xb: {  	p0 =	seq.s32 s11, $0x1;
	s8 =	sor.u32 s3, s5;
	s31 =	sshrl.u32 s7, $0x1  }
0xc: {  	s6 =	sshrl.u32 s6, $0x2;
	s16 =	simm.s32 @!p0 $0x3E400;
	s10 =	smul.u32 $0x500, s8  }
0xd: {  	s15 =	ssub.s32 s7, s31;
	s5 =	sadd.s32 s6, s2;
	s13 =	smul.u32 $0x2800, s8  }
0xe: {  	s16 =	sadd.s32 s16, s14;
	s6 =	sadd.s32 $0x4000, s5;
	s7 =	sadd.s32 $0x8000, s5  }
0xf: {  	s8 =	sadd.s32 $0xC000, s5;
	s9 =	sadd.s32 $0x10000, s5;
	s14 =	smax.u32 s15, $0x1  }
0x10: {  	s15 =	sadd.s32 s16, s17;
	s16 =	simm.s32 $0x2800;
	s13 =	sshrl.u32 s13, $0x3  }
0x11: {  	s17 =	simm.s32 $0x3;
	s10 =	sadd.s32 s12, s10;
	s13 =	sadd.s32 s12, s13  }
0x12: {  	v0 =	vimm.f32 $0.0e+00;
	s11 =	sadd.s32 $0xA000, s13;
	s12 =	sadd.s32 $0x280, s13;
	s13 =	sadd.s32 $0xA280, s13  }
.LBB2_1:
0x13: {  	s26 =	simm.s32 $0x0;
	s28 =	simm.s32 $0x200  }
.LBB2_2:
0x14: {  	p0 =	sne.s32 s28, $0xFE00;
	[tilespmem:s26+$0x2870] =	vst v0  }
0x15: {  	[tilespmem:s26+$0x2800] =	vst v0  }
0x16: {  	[tilespmem:s26+$0x2810] =	vst v0  }
.Ltmp0:
0x17: {  	[tilespmem:s26+$0x2820] =	vst v0;
	(pc) =	sbr.rel @p0 .LBB2_2-.Ltmp0, $4  }
0x18: {  	[tilespmem:s26+$0x2830] =	vst v0  }
0x19: {  	[tilespmem:s26+$0x2840] =	vst v0  }
0x1a: {  	[tilespmem:s26+$0x2850] =	vst v0  }
0x1b: {  	[tilespmem:s26+$0x2860] =	vst v0;
	s26 =	sshra.s32 s28, $0x2;
	s28 =	sadd.s32 $0x200, s28  }
0x1c: {  	[tilespmem:s26+$0x2870] =	vst v0  }
0x1d: {  	[tilespmem:s26+$0x2800] =	vst v0  }
0x1e: {  	[tilespmem:s26+$0x2810] =	vst v0  }
0x1f: {  	[tilespmem:s26+$0x2820] =	vst v0  }
0x20: {  	[tilespmem:s26+$0x2830] =	vst v0  }
0x21: {  	[tilespmem:s26+$0x2840] =	vst v0  }
0x22: {  	[tilespmem:s26+$0x2850] =	vst v0  }
0x23: {  	[tilespmem:s26+$0x2860] =	vst v0  }
0x24: {  	[spmem:s5] =	stream.linear.scatter [tilespmem:s16], [sflag:$0x3], $0x4000, $0x38;
	[tilespmem:$0x1E800] =	vst v63  }
0x25: {  	_ =	swait.ge [sflag:s17], $0x4000  }
0x26: {  	[sflag:s17] =	ssyncset.done $0x0  }
0x27: {  	[sflag:s17] =	ssyncadd.s32 $0xFFFFC000  }
0x28: {  	[spmem:s6] =	stream.linear.scatter [tilespmem:s16], [sflag:$0x3], $0x4000, $0x38;
	[tilespmem:$0x1E800] =	vst v63  }
0x29: {  	_ =	swait.ge [sflag:s17], $0x4000  }
0x2a: {  	[sflag:s17] =	ssyncset.done $0x0  }
0x2b: {  	[sflag:s17] =	ssyncadd.s32 $0xFFFFC000  }
0x2c: {  	[spmem:s7] =	stream.linear.scatter [tilespmem:s16], [sflag:$0x3], $0x4000, $0x38;
	[tilespmem:$0x1E800] =	vst v63  }
0x2d: {  	_ =	swait.ge [sflag:s17], $0x4000  }
0x2e: {  	[sflag:s17] =	ssyncset.done $0x0  }
0x2f: {  	[sflag:s17] =	ssyncadd.s32 $0xFFFFC000  }
0x30: {  	[spmem:s8] =	stream.linear.scatter [tilespmem:s16], [sflag:$0x3], $0x4000, $0x38;
	[tilespmem:$0x1E800] =	vst v63  }
0x31: {  	_ =	swait.ge [sflag:s17], $0x4000  }
0x32: {  	[sflag:s17] =	ssyncset.done $0x0  }
0x33: {  	[sflag:s17] =	ssyncadd.s32 $0xFFFFC000  }
0x34: {  	[spmem:s9] =	stream.linear.scatter [tilespmem:s16], [sflag:$0x3], $0x4000, $0x38;
	[tilespmem:$0x1E800] =	vst v63  }
0x35: {  	_ =	swait.ge [sflag:s17], $0x4000  }
0x36: {  	[sflag:s17] =	ssyncset.done $0x0  }
0x37: {  	[sflag:s17] =	ssyncadd.s32 $0xFFFFC000  }
0x38: {  	s30 =	simm.s32 $0x0;
	[bflag:$0x0] =	sbarrier.arrive $0xFFFF  }
0x39: {  	[tilespmem:s30], [sflag:$0x3] =	stream.linear.gather [hbm4b:s10+s30], $0x1400, $0x38;
	[tilespmem:$0x1E800] =	vst v63  }
0x3a: {  	_ =	swait.ge [sflag:s17], $0x1400  }
0x3b: {  	[sflag:s17] =	ssyncset.done $0x0  }
0x3c: {  	[sflag:s17] =	ssyncadd.s32 $0xFFFFEC00  }
0x3d: {  	[tilespmem:s18], [sflag:$0x3] =	stream.linear.gather [hbm4b:s11+s30], $0x1400, $0x38;
	[tilespmem:$0x1E800] =	vst v63  }
0x3e: {  	_ =	swait.ge [sflag:s17], $0x1400  }
0x3f: {  	[sflag:s17] =	ssyncset.done $0x0  }
0x40: {  	[sflag:s17] =	ssyncadd.s32 $0xFFFFEC00  }
0x41: {  	[tilespmem:s16], [sflag:$0x1] =	stream.indirect.gather [hbm4b:s1+s19], $0x80, s30, s19, $0xb8;
	[tilespmem:$0x1E800] =	vst v63  }
0x42: {  	s31 =	simm.s32 $0x80  }
0x43: {  	[tilespmem:s20], [sflag:$0x2] =	stream.indirect.gather [hbm4b:s1+s19], $0x80, s31, s19, $0xb8;
	[tilespmem:$0x1E800] =	vst v63  }
0x44: {  	_ =	swait.ge [sflag:s21], $0x3E80  }
0x45: {  	[sflag:s21] =	ssyncset.done $0x0  }
0x46: {  	s29 =	simm.s32 $0x1400;
	[sflag:s21] =	ssyncadd.s32 $0xFFFFC180  }
0x47: {  	[spmem:s2] =	stream.indirect.scatter.add.f32 [tilespmem:s16], [sflag:$0x3], $0x80, s29, s19, $0xb8;
	[tilespmem:$0x1E800] =	vst v63  }
0x48: {  	_ =	swait.ge [sflag:s17], $0x3E80  }
0x49: {  	[sflag:s17] =	ssyncset.done $0x0  }
0x4a: {  	s30 =	simm.s32 $0x100;
	[sflag:s17] =	ssyncadd.s32 $0xFFFFC180  }
0x4b: {  	[tilespmem:s16], [sflag:$0x1] =	stream.indirect.gather [hbm4b:s1+s19], $0x80, s30, s19, $0xb8;
	[tilespmem:$0x1E800] =	vst v63  }
0x4c: {  	_ =	swait.ge [sflag:s22], $0x3E80  }
0x4d: {  	[sflag:s22] =	ssyncset.done $0x0  }
0x4e: {  	s31 =	simm.s32 $0x1480;
	[sflag:s22] =	ssyncadd.s32 $0xFFFFC180  }
0x4f: {  	[spmem:s2] =	stream.indirect.scatter.add.f32 [tilespmem:s20], [sflag:$0x3], $0x80, s31, s19, $0xb8;
	[tilespmem:$0x1E800] =	vst v63  }
0x50: {  	_ =	swait.ge [sflag:s17], $0x3E80  }
0x51: {  	s28 =	simm.s32 $0x800;
	s26 =	simm.s32 $0x100;
	[sflag:s17] =	ssyncset.done $0x0  }
.LBB2_4:
0x52: {  	s29 =	sadd.s32 $0x80, s26  }
0x53: {  	[sflag:s17] =	ssyncadd.s32 $0xFFFFC180;
	s30 =	smov.u32 s28;
	s31 =	sadd.s32 $0x400, s28  }
0x54: {  	[tilespmem:s20], [sflag:$0x2] =	stream.indirect.gather [hbm4b:s1+s19], $0x80, s29, s19, $0xb8;
	[tilespmem:$0x1E800] =	vst v63  }
0x55: {  	p0 =	sne.s32 s28, $0x4800;
	_ =	swait.ge [sflag:s21], $0x3E80  }
0x56: {  	[sflag:s21] =	ssyncset.done $0x0  }
0x57: {  	s28 =	sadd.s32 $0x1400, s26;
	[sflag:s21] =	ssyncadd.s32 $0xFFFFC180  }
0x58: {  	[spmem:s2] =	stream.indirect.scatter.add.f32 [tilespmem:s16], [sflag:$0x3], $0x80, s28, s19, $0xb8;
	[tilespmem:$0x1E800] =	vst v63  }
0x59: {  	_ =	swait.ge [sflag:s17], $0x3E80  }
0x5a: {  	[sflag:s17] =	ssyncset.done $0x0  }
0x5b: {  	s28 =	sadd.s32 $0x100, s26;
	[sflag:s17] =	ssyncadd.s32 $0xFFFFC180  }
0x5c: {  	[tilespmem:s16], [sflag:$0x1] =	stream.indirect.gather [hbm4b:s1+s19], $0x80, s28, s19, $0xb8;
	[tilespmem:$0x1E800] =	vst v63  }
0x5d: {  	_ =	swait.ge [sflag:s22], $0x3E80  }
.Ltmp1:
0x5e: {  	[sflag:s22] =	ssyncset.done $0x0;
	(pc) =	sbr.rel @p0 .LBB2_4-.Ltmp1, $4  }
0x5f: {  	s26 =	sadd.s32 $0x1480, s26;
	[sflag:s22] =	ssyncadd.s32 $0xFFFFC180  }
0x60: {  	[spmem:s2] =	stream.indirect.scatter.add.f32 [tilespmem:s20], [sflag:$0x3], $0x80, s26, s19, $0xb8;
	[tilespmem:$0x1E800] =	vst v63  }
0x61: {  	_ =	swait.ge [sflag:s17], $0x3E80  }
0x62: {  	s28 =	smov.u32 s31;
	s26 =	sshra.s32 s30, $0x2;
	[sflag:s17] =	ssyncset.done $0x0  }
0x63: {  	s28 =	sadd.s32 $0x80, s26;
	[sflag:s17] =	ssyncadd.s32 $0xFFFFC180  }
0x64: {  	[tilespmem:s20], [sflag:$0x2] =	stream.indirect.gather [hbm4b:s1+s19], $0x80, s28, s19, $0xb8;
	[tilespmem:$0x1E800] =	vst v63  }
0x65: {  	_ =	swait.ge [sflag:s21], $0x3E80  }
0x66: {  	[sflag:s21] =	ssyncset.done $0x0  }
0x67: {  	s28 =	sadd.s32 $0x1400, s26;
	[sflag:s21] =	ssyncadd.s32 $0xFFFFC180  }
0x68: {  	[spmem:s2] =	stream.indirect.scatter.add.f32 [tilespmem:s16], [sflag:$0x3], $0x80, s28, s19, $0xb8;
	[tilespmem:$0x1E800] =	vst v63  }
0x69: {  	_ =	swait.ge [sflag:s17], $0x3E80  }
0x6a: {  	[sflag:s17] =	ssyncset.done $0x0  }
0x6b: {  	s28 =	sadd.s32 $0x100, s26;
	[sflag:s17] =	ssyncadd.s32 $0xFFFFC180  }
0x6c: {  	[tilespmem:s16], [sflag:$0x1] =	stream.indirect.gather [hbm4b:s1+s19], $0x80, s28, s19, $0xb8;
	[tilespmem:$0x1E800] =	vst v63  }
0x6d: {  	_ =	swait.ge [sflag:s22], $0x3E80  }
0x6e: {  	[sflag:s22] =	ssyncset.done $0x0  }
0x6f: {  	s29 =	sadd.s32 $0x1480, s26;
	[sflag:s22] =	ssyncadd.s32 $0xFFFFC180  }
0x70: {  	[spmem:s2] =	stream.indirect.scatter.add.f32 [tilespmem:s20], [sflag:$0x3], $0x80, s29, s19, $0xb8;
	[tilespmem:$0x1E800] =	vst v63  }
0x71: {  	_ =	swait.ge [sflag:s17], $0x3E80  }
0x72: {  	[sflag:s17] =	ssyncset.done $0x0  }
0x73: {  	[sflag:s17] =	ssyncadd.s32 $0xFFFFC180  }
0x74: {  	[tilespmem:s20], [sflag:$0x2] =	stream.indirect.gather [hbm4b:s1+s19], $0x80, s23, s19, $0xb8;
	[tilespmem:$0x1E800] =	vst v63  }
0x75: {  	_ =	swait.ge [sflag:s21], $0x3E80  }
0x76: {  	[sflag:s21] =	ssyncset.done $0x0  }
0x77: {  	[sflag:s21] =	ssyncadd.s32 $0xFFFFC180  }
0x78: {  	[spmem:s2] =	stream.indirect.scatter.add.f32 [tilespmem:s16], [sflag:$0x3], $0x80, s24, s19, $0xb8;
	[tilespmem:$0x1E800] =	vst v63  }
0x79: {  	_ =	swait.ge [sflag:s17], $0x3E80  }
0x7a: {  	[sflag:s17] =	ssyncset.done $0x0  }
0x7b: {  	[sflag:s17] =	ssyncadd.s32 $0xFFFFC180  }
0x7c: {  	_ =	swait.ge [sflag:s22], $0x3E80  }
0x7d: {  	[sflag:s22] =	ssyncset.done $0x0  }
0x7e: {  	[sflag:s22] =	ssyncadd.s32 $0xFFFFC180  }
0x7f: {  	[spmem:s2] =	stream.indirect.scatter.add.f32 [tilespmem:s20], [sflag:$0x3], $0x80, s25, s19, $0xb8;
	[tilespmem:$0x1E800] =	vst v63  }
0x80: {  	_ =	swait.ge [sflag:s17], $0x3E80  }
0x81: {  	[sflag:s17] =	ssyncset.done $0x0  }
0x82: {  	s30 =	simm.s32 $0x0;
	[sflag:s17] =	ssyncadd.s32 $0xFFFFC180  }
0x83: {  	[tilespmem:s30], [sflag:$0x3] =	stream.linear.gather [hbm4b:s12+s30], $0x1400, $0x38;
	[tilespmem:$0x1E800] =	vst v63  }
0x84: {  	_ =	swait.ge [sflag:s17], $0x1400  }
0x85: {  	[sflag:s17] =	ssyncset.done $0x0  }
0x86: {  	[sflag:s17] =	ssyncadd.s32 $0xFFFFEC00  }
0x87: {  	[tilespmem:s18], [sflag:$0x3] =	stream.linear.gather [hbm4b:s13+s30], $0x1400, $0x38;
	[tilespmem:$0x1E800] =	vst v63  }
0x88: {  	_ =	swait.ge [sflag:s17], $0x1400  }
0x89: {  	[sflag:s17] =	ssyncset.done $0x0  }
0x8a: {  	[sflag:s17] =	ssyncadd.s32 $0xFFFFEC00  }
0x8b: {  	[tilespmem:s16], [sflag:$0x1] =	stream.indirect.gather [hbm4b:s1+s19], $0x80, s30, s19, $0xb8;
	[tilespmem:$0x1E800] =	vst v63  }
0x8c: {  	s31 =	simm.s32 $0x80  }
0x8d: {  	[tilespmem:s20], [sflag:$0x2] =	stream.indirect.gather [hbm4b:s1+s19], $0x80, s31, s19, $0xb8;
	[tilespmem:$0x1E800] =	vst v63  }
0x8e: {  	_ =	swait.ge [sflag:s21], $0x3E80  }
0x8f: {  	[sflag:s21] =	ssyncset.done $0x0  }
0x90: {  	s29 =	simm.s32 $0x1400;
	[sflag:s21] =	ssyncadd.s32 $0xFFFFC180  }
0x91: {  	[spmem:s2] =	stream.indirect.scatter.add.f32 [tilespmem:s16], [sflag:$0x3], $0x80, s29, s19, $0xb8;
	[tilespmem:$0x1E800] =	vst v63  }
0x92: {  	_ =	swait.ge [sflag:s17], $0x3E80  }
0x93: {  	[sflag:s17] =	ssyncset.done $0x0  }
0x94: {  	s30 =	simm.s32 $0x100;
	[sflag:s17] =	ssyncadd.s32 $0xFFFFC180  }
0x95: {  	[tilespmem:s16], [sflag:$0x1] =	stream.indirect.gather [hbm4b:s1+s19], $0x80, s30, s19, $0xb8;
	[tilespmem:$0x1E800] =	vst v63  }
0x96: {  	_ =	swait.ge [sflag:s22], $0x3E80  }
0x97: {  	[sflag:s22] =	ssyncset.done $0x0  }
0x98: {  	s31 =	simm.s32 $0x1480;
	[sflag:s22] =	ssyncadd.s32 $0xFFFFC180  }
0x99: {  	[spmem:s2] =	stream.indirect.scatter.add.f32 [tilespmem:s20], [sflag:$0x3], $0x80, s31, s19, $0xb8;
	[tilespmem:$0x1E800] =	vst v63  }
0x9a: {  	_ =	swait.ge [sflag:s17], $0x3E80  }
0x9b: {  	s26 =	simm.s32 $0x100;
	s28 =	simm.s32 $0x800;
	[sflag:s17] =	ssyncset.done $0x0  }
.LBB2_6:
0x9c: {  	s29 =	sadd.s32 $0x80, s26  }
0x9d: {  	[sflag:s17] =	ssyncadd.s32 $0xFFFFC180;
	s30 =	smov.u32 s28;
	s31 =	sadd.s32 $0x400, s28  }
0x9e: {  	[tilespmem:s20], [sflag:$0x2] =	stream.indirect.gather [hbm4b:s1+s19], $0x80, s29, s19, $0xb8;
	[tilespmem:$0x1E800] =	vst v63  }
0x9f: {  	p0 =	sne.s32 s28, $0x4800;
	_ =	swait.ge [sflag:s21], $0x3E80  }
0xa0: {  	[sflag:s21] =	ssyncset.done $0x0  }
0xa1: {  	s28 =	sadd.s32 $0x1400, s26;
	[sflag:s21] =	ssyncadd.s32 $0xFFFFC180  }
0xa2: {  	[spmem:s2] =	stream.indirect.scatter.add.f32 [tilespmem:s16], [sflag:$0x3], $0x80, s28, s19, $0xb8;
	[tilespmem:$0x1E800] =	vst v63  }
0xa3: {  	_ =	swait.ge [sflag:s17], $0x3E80  }
0xa4: {  	[sflag:s17] =	ssyncset.done $0x0  }
0xa5: {  	s28 =	sadd.s32 $0x100, s26;
	[sflag:s17] =	ssyncadd.s32 $0xFFFFC180  }
0xa6: {  	[tilespmem:s16], [sflag:$0x1] =	stream.indirect.gather [hbm4b:s1+s19], $0x80, s28, s19, $0xb8;
	[tilespmem:$0x1E800] =	vst v63  }
0xa7: {  	_ =	swait.ge [sflag:s22], $0x3E80  }
.Ltmp2:
0xa8: {  	[sflag:s22] =	ssyncset.done $0x0;
	(pc) =	sbr.rel @p0 .LBB2_6-.Ltmp2, $4  }
0xa9: {  	s26 =	sadd.s32 $0x1480, s26;
	[sflag:s22] =	ssyncadd.s32 $0xFFFFC180  }
0xaa: {  	[spmem:s2] =	stream.indirect.scatter.add.f32 [tilespmem:s20], [sflag:$0x3], $0x80, s26, s19, $0xb8;
	[tilespmem:$0x1E800] =	vst v63  }
0xab: {  	_ =	swait.ge [sflag:s17], $0x3E80  }
0xac: {  	s28 =	smov.u32 s31;
	s26 =	sshra.s32 s30, $0x2;
	[sflag:s17] =	ssyncset.done $0x0  }
0xad: {  	s28 =	sadd.s32 $0x80, s26;
	[sflag:s17] =	ssyncadd.s32 $0xFFFFC180  }
0xae: {  	[tilespmem:s20], [sflag:$0x2] =	stream.indirect.gather [hbm4b:s1+s19], $0x80, s28, s19, $0xb8;
	[tilespmem:$0x1E800] =	vst v63  }
0xaf: {  	_ =	swait.ge [sflag:s21], $0x3E80  }
0xb0: {  	[sflag:s21] =	ssyncset.done $0x0  }
0xb1: {  	s30 =	sadd.s32 $0x1400, s26;
	[sflag:s21] =	ssyncadd.s32 $0xFFFFC180  }
0xb2: {  	[spmem:s2] =	stream.indirect.scatter.add.f32 [tilespmem:s16], [sflag:$0x3], $0x80, s30, s19, $0xb8;
	[tilespmem:$0x1E800] =	vst v63  }
0xb3: {  	_ =	swait.ge [sflag:s17], $0x3E80  }
0xb4: {  	[sflag:s17] =	ssyncset.done $0x0  }
0xb5: {  	s31 =	sadd.s32 $0x100, s26;
	[sflag:s17] =	ssyncadd.s32 $0xFFFFC180  }
0xb6: {  	[tilespmem:s16], [sflag:$0x1] =	stream.indirect.gather [hbm4b:s1+s19], $0x80, s31, s19, $0xb8;
	[tilespmem:$0x1E800] =	vst v63  }
0xb7: {  	_ =	swait.ge [sflag:s22], $0x3E80  }
0xb8: {  	[sflag:s22] =	ssyncset.done $0x0  }
0xb9: {  	s29 =	sadd.s32 $0x1480, s26;
	[sflag:s22] =	ssyncadd.s32 $0xFFFFC180  }
0xba: {  	[spmem:s2] =	stream.indirect.scatter.add.f32 [tilespmem:s20], [sflag:$0x3], $0x80, s29, s19, $0xb8;
	[tilespmem:$0x1E800] =	vst v63  }
0xbb: {  	_ =	swait.ge [sflag:s17], $0x3E80  }
0xbc: {  	[sflag:s17] =	ssyncset.done $0x0  }
0xbd: {  	[sflag:s17] =	ssyncadd.s32 $0xFFFFC180  }
0xbe: {  	[tilespmem:s20], [sflag:$0x2] =	stream.indirect.gather [hbm4b:s1+s19], $0x80, s23, s19, $0xb8;
	[tilespmem:$0x1E800] =	vst v63  }
0xbf: {  	_ =	swait.ge [sflag:s21], $0x3E80  }
0xc0: {  	[sflag:s21] =	ssyncset.done $0x0  }
0xc1: {  	[sflag:s21] =	ssyncadd.s32 $0xFFFFC180  }
0xc2: {  	[spmem:s2] =	stream.indirect.scatter.add.f32 [tilespmem:s16], [sflag:$0x3], $0x80, s24, s19, $0xb8;
	[tilespmem:$0x1E800] =	vst v63  }
0xc3: {  	_ =	swait.ge [sflag:s17], $0x3E80  }
0xc4: {  	[sflag:s17] =	ssyncset.done $0x0  }
0xc5: {  	[sflag:s17] =	ssyncadd.s32 $0xFFFFC180  }
0xc6: {  	_ =	swait.ge [sflag:s22], $0x3E80  }
0xc7: {  	[sflag:s22] =	ssyncset.done $0x0  }
0xc8: {  	[sflag:s22] =	ssyncadd.s32 $0xFFFFC180  }
0xc9: {  	[spmem:s2] =	stream.indirect.scatter.add.f32 [tilespmem:s20], [sflag:$0x3], $0x80, s25, s19, $0xb8;
	[tilespmem:$0x1E800] =	vst v63  }
0xca: {  	_ =	swait.ge [sflag:s17], $0x3E80  }
0xcb: {  	s4 =	sadd.s32 $0x1, s4;
	s30 =	sshll.u32 s3, $0x6;
	[sflag:s17] =	ssyncset.done $0x0  }
0xcc: {  	p0 =	sne.s32 s4, s14;
	s26 =	sor.u32 $0x1C03, s30;
	[sflag:s17] =	ssyncadd.s32 $0xFFFFC180  }
.Ltmp3:
0xcd: {  	s31 =	sshrl.u32 s5, $0x3;
	[bflag:$0x0] =	sbarrier.arrive $0xFFFF;
	(pc) =	sbr.rel @p0 .LBB2_1-.Ltmp3, $4  }
0xce: {  	[hbm:s15], [sflag:s26] =	dma.local [spmem:s31], $0x2800  }
0xcf: {  	_ =	swait.ge [sflag:s17], $0x2800  }
0xd0: {  	[sflag:s17] =	ssyncset.done $0x0  }
0xd1: {  	[sflag:s17] =	ssyncadd.s32 $0xFFFFD800  }
0xd2: {  	_ =	sfence.sel $0x180000  }
0xd3: {  	[bflag:$0x0] =	sbarrier.arrive $0xFFFF  }
0xd4: {  	p0 =	sne.s32 s3, $0x0;
	_ =	strace $0x9000004A  }
0xd5: {  	s0 =	sadd.s32 @!p0 $0x100000, s0;
	[bflag:$0x2] =	sbarrier.arrive $0xFFFF  }
0xd6: {  	[sflag:s0] =	ssyncadd.tile.s32 @!p0 $0x1;
	_ =	shalt  }
.Lfunc_end2:
_tile_overlayer_lowered:
.L_overlay_start_2:
0xd7: {  	(tag) =	ssettag $0x2  }
0xd8: {  	s0 =	rddreg [dreg:$0x0];
	s2 =	stileid.u32  }
0xd9: {  	s1 =	rddreg [dreg:$0x1];
	p0 =	sne.s32 s2, $0x0  }
0xda: {  	s3 =	rddreg [dreg:$0x2];
	[bflag:$0x3] =	sbarrier.arrive $0xFFFF;
	s2 =	simm.s32 @!p0 $0x1C03  }
0xdb: {  	[timem:s3], [sflag:s2] =	dma.local @!p0 [hbm:s0], s1  }
0xdc: {  	s0 =	simm.s32 @!p0 $0x3  }
0xdd: {  	_ =	swait.ge @!p0 [sflag:s0], s1  }
0xde: {  	s1 =	ssub.s32 @!p0 $0x0, s1;
	[sflag:s0] =	ssyncset.done @!p0 $0x0  }
0xdf: {  	[sflag:s0] =	ssyncadd.s32 @!p0 s1  }
0xe0: {  	[bflag:$0x3] =	sbarrier.arrive $0xFFFF  }
0xe1: {  	_ =	shalt  }

</sc_bundles>
